<compile_context>
chip_gen: v7x
topology: tpu7x:2x2x1
jax: 0.10.2.dev20260603
libtpu: 0.0.44.dev20260713+nightly
codegen_flags: <defaults>
</compile_context>

<pallas_src>
import jax
import jax.numpy as jnp
from jax import lax
from jax.experimental import pallas as pl
from jax.experimental.pallas import tpu as pltpu
from jax.experimental.pallas import tpu_sc as plsc

_T = 2048
_D = 1024
_E = 64
_K = 2
_FF = 512
_SFF = 512
_P = _T * _K
_TILE = 128
_NT_PAD = _P + _E * _TILE
_NUM_TILES = _NT_PAD // _TILE
_TT = 128

_NC = 2
_NS = 16
_NW = _NC * _NS
_BPW = _P // _NW


def _cumsum_rows(x):
    n = x.shape[0]
    sh = 1
    while sh < n:
        pad = jnp.zeros((sh, x.shape[1]), x.dtype)
        x = x + jnp.concatenate([pad, x[:-sh]], axis=0)
        sh *= 2
    return x


def _cumsum_lanes(x):
    n = x.shape[1]
    sh = 1
    while sh < n:
        pad = jnp.zeros((x.shape[0], sh), x.dtype)
        x = x + jnp.concatenate([pad, x[:, :-sh]], axis=1)
        sh *= 2
    return x


def _router_kernel(x_ref, gw_ref, w_ref, pos_ref, te_ref):
    x = x_ref[...]
    gw = gw_ref[...]
    logits = lax.dot_general(
        x, gw, (((1,), (1,)), ((), ())),
        preferred_element_type=jnp.float32)

    l1 = jnp.max(logits, axis=1, keepdims=True)
    i1 = jnp.argmax(logits, axis=1, keepdims=True)
    ecol = lax.broadcasted_iota(jnp.int32, (_T, _E), 1)
    masked = jnp.where(ecol == i1, -jnp.inf, logits)
    l2 = jnp.max(masked, axis=1, keepdims=True)
    i2 = jnp.argmax(masked, axis=1, keepdims=True)
    r = jnp.exp(l2 - l1)
    s = 1.0 + r
    w_ref[...] = jnp.concatenate([1.0 / s, r / s], axis=1)

    oh = jnp.concatenate([(ecol == i1), (ecol == i2)],
                         axis=0).astype(jnp.int32)
    csum = _cumsum_rows(oh)
    counts = csum[_P - 1:_P, :]
    rank = jnp.sum(oh * csum, axis=1, keepdims=True) - 1
    pc = ((counts + (_TILE - 1)) // _TILE) * _TILE
    cpc = _cumsum_lanes(pc)
    po = cpc - pc
    pos_flat = jnp.sum(oh * po, axis=1, keepdims=True) + rank
    pos_ref[...] = jnp.concatenate([pos_flat[:_T], pos_flat[_T:]], axis=1)

    trow = lax.broadcasted_iota(jnp.int32, (_NUM_TILES, _E), 0) * _TILE
    te = jnp.sum((trow >= cpc).astype(jnp.int32), axis=1, keepdims=True)
    te_ref[...] = jnp.minimum(te, _E - 1)


def _sc_scatter_x(x_f32, pos_row):
    mesh = plsc.VectorSubcoreMesh(core_axis_name="c", subcore_axis_name="s")
    half = _BPW // 2

    @pl.kernel(
        mesh=mesh,
        out_type=jax.ShapeDtypeStruct((_NT_PAD, _D), jnp.float32),
        scratch_types=[
            pltpu.VMEM((half,), jnp.int32),
            pltpu.VMEM((half, _D), jnp.float32),
            pltpu.SemaphoreType.DMA,
        ],
    )
    def k(x_hbm, idx_hbm, out_hbm, idx_v, rows_v, sem):
        wid = lax.axis_index("s") * _NC + lax.axis_index("c")
        base = wid * _BPW
        src0 = lax.rem(base, _T)
        for r in range(2):
            pltpu.sync_copy(idx_hbm.at[pl.ds(base + r * half, half)], idx_v)
            pltpu.sync_copy(x_hbm.at[pl.ds(src0 + r * half, half)], rows_v)
            pltpu.async_copy(rows_v, out_hbm.at[idx_v], sem).wait()

    return k(x_f32, pos_row)


def _sc_gather_os(os, pos_row):
    mesh = plsc.VectorSubcoreMesh(core_axis_name="c", subcore_axis_name="s")
    half = _BPW // 2

    @pl.kernel(
        mesh=mesh,
        out_type=jax.ShapeDtypeStruct((_P, _D), jnp.float32),
        scratch_types=[
            pltpu.VMEM((half,), jnp.int32),
            pltpu.VMEM((half, _D), jnp.float32),
            pltpu.SemaphoreType.DMA,
        ],
    )
    def k(os_hbm, idx_hbm, out_hbm, idx_v, rows_v, sem):
        wid = lax.axis_index("s") * _NC + lax.axis_index("c")
        base = wid * _BPW
        for r in range(2):
            pltpu.sync_copy(idx_hbm.at[pl.ds(base + r * half, half)], idx_v)
            pltpu.async_copy(os_hbm.at[idx_v], rows_v, sem).wait()
            pltpu.sync_copy(rows_v, out_hbm.at[pl.ds(base + r * half, half)])

    return k(os, pos_row)


def _expert_kernel(te_ref, xs_ref, w1_ref, w2_ref, out_ref):
    del te_ref
    xg = xs_ref[...].astype(jnp.bfloat16)
    h = jnp.dot(xg, w1_ref[0].astype(jnp.bfloat16),
                preferred_element_type=jnp.float32)
    g = h[:, :_FF]
    u = h[:, _FF:]
    a = (jax.nn.silu(g) * u).astype(jnp.bfloat16)
    out_ref[...] = jnp.dot(a, w2_ref[0].astype(jnp.bfloat16),
                           preferred_element_type=jnp.float32)


def _shared_kernel(x_ref, sgu_ref, sd_ref, out_ref):
    xb = x_ref[...].astype(jnp.bfloat16)
    h = jnp.dot(xb, sgu_ref[...], preferred_element_type=jnp.float32)
    g = h[:, :_SFF]
    u = h[:, _SFF:]
    a = (jax.nn.silu(g) * u).astype(jnp.bfloat16)
    out_ref[...] = jnp.dot(a, sd_ref[...], preferred_element_type=jnp.float32)


def _final_kernel(sh_ref, g0_ref, g1_ref, w_ref, out_ref):
    w0 = w_ref[:, 0:1]
    w1 = w_ref[:, 1:2]
    out_ref[...] = sh_ref[...] + w0 * g0_ref[...] + w1 * g1_ref[...]


def kernel(hidden_states, gate_w, w_gate_up, w_down, shared_gate_up, shared_down):
    sgu_bf = shared_gate_up.astype(jnp.bfloat16)
    sd_bf = shared_down.astype(jnp.bfloat16)

    topk_w, pos2, te = pl.pallas_call(
        _router_kernel,
        out_shape=[
            jax.ShapeDtypeStruct((_T, _K), jnp.float32),
            jax.ShapeDtypeStruct((_T, _K), jnp.int32),
            jax.ShapeDtypeStruct((_NUM_TILES, 1), jnp.int32),
        ],
    )(hidden_states, gate_w)

    te_flat = te.reshape(_NUM_TILES)
    pos_row = pos2.T.reshape(_P)

    x_sorted = _sc_scatter_x(hidden_states, pos_row)

    os = pl.pallas_call(
        _expert_kernel,
        grid_spec=pltpu.PrefetchScalarGridSpec(
            num_scalar_prefetch=1,
            grid=(_NUM_TILES,),
            in_specs=[
                pl.BlockSpec((_TILE, _D), lambda t, te: (t, 0)),
                pl.BlockSpec((1, _D, 2 * _FF), lambda t, te: (te[t], 0, 0)),
                pl.BlockSpec((1, _FF, _D), lambda t, te: (te[t], 0, 0)),
            ],
            out_specs=pl.BlockSpec((_TILE, _D), lambda t, te: (t, 0)),
        ),
        out_shape=jax.ShapeDtypeStruct((_NT_PAD, _D), jnp.float32),
    )(te_flat, x_sorted, w_gate_up, w_down)

    shared = pl.pallas_call(
        _shared_kernel,
        grid=(_T // _TT,),
        in_specs=[
            pl.BlockSpec((_TT, _D), lambda i: (i, 0)),
            pl.BlockSpec((_D, 2 * _SFF), lambda i: (0, 0)),
            pl.BlockSpec((_SFF, _D), lambda i: (0, 0)),
        ],
        out_specs=pl.BlockSpec((_TT, _D), lambda i: (i, 0)),
        out_shape=jax.ShapeDtypeStruct((_T, _D), jnp.float32),
    )(hidden_states, sgu_bf, sd_bf)

    g = _sc_gather_os(os, pos_row)

    out = pl.pallas_call(
        _final_kernel,
        grid=(_T // _TT,),
        in_specs=[
            pl.BlockSpec((_TT, _D), lambda i: (i, 0)),
            pl.BlockSpec((_TT, _D), lambda i: (i, 0)),
            pl.BlockSpec((_TT, _D), lambda i: (i + _T // _TT, 0)),
            pl.BlockSpec((_TT, _K), lambda i: (i, 0)),
        ],
        out_specs=pl.BlockSpec((_TT, _D), lambda i: (i, 0)),
        out_shape=jax.ShapeDtypeStruct((_T, _D), jnp.float32),
    )(shared, g, g, topk_w)

    return out

# --- scband reference (transcript-rebuilt; emitter-appended) ---
"""Pipeline reference for scband-bailing-mo-eblock-28063316312109 (READ-ONLY COPY).

The authoritative reference and input builder live on the scoring server;
editing this copy changes nothing except your own understanding.
"""

import jax, jax.numpy as jnp
import numpy as np

T = 2048
D = 1024
E = 64
TOP_K = 2
FF = 512
SFF = 512  # num_shared_experts * moe_intermediate_size
N_CHUNKS = 32
ROUTED_SCALING = 1.0


def setup_inputs(seed: int = 0) -> dict:
    key = jax.random.key(seed)
    ks = jax.random.split(key, 6)
    hidden_states = jax.random.normal(ks[0], (T, D), dtype=jnp.float32)
    gate_w = jax.random.normal(ks[1], (E, D), dtype=jnp.float32) * 0.02
    w_gate_up = jax.random.normal(ks[2], (E, D, 2 * FF), dtype=jnp.float32) * 0.02
    w_down = jax.random.normal(ks[3], (E, FF, D), dtype=jnp.float32) * 0.02
    shared_gate_up = jax.random.normal(ks[4], (D, 2 * SFF), dtype=jnp.float32) * 0.02
    shared_down = jax.random.normal(ks[5], (SFF, D), dtype=jnp.float32) * 0.02
    return {
        "hidden_states": hidden_states,
        "gate_w": gate_w,
        "w_gate_up": w_gate_up,
        "w_down": w_down,
        "shared_gate_up": shared_gate_up,
        "shared_down": shared_down,
    }


def _expert_chunk(xi, ei, w_gate_up, w_down):
    # gather per-token expert weights (SparseCore-style gather)
    w1 = jnp.take(w_gate_up, ei, axis=0)  # [c, D, 2*FF]
    w2 = jnp.take(w_down, ei, axis=0)     # [c, FF, D]
    h = jnp.einsum("cd,cdf->cf", xi, w1)
    g, u = jnp.split(h, 2, axis=-1)
    h = jax.nn.silu(g) * u
    return jnp.einsum("cf,cfd->cd", h, w2)


def reference(hidden_states, gate_w, w_gate_up, w_down, shared_gate_up, shared_down):
    # router: BailingMoEGate (linear, no bias), score_function=softmax
    logits = jnp.dot(hidden_states.astype(jnp.float32), gate_w.T)
    probs = jax.nn.softmax(logits, axis=-1)
    topk_w, topk_idx = jax.lax.top_k(probs, TOP_K)
    # norm_topk_prob=True
    topk_w = topk_w / (jnp.sum(topk_w, axis=-1, keepdims=True) + 1e-20)
    topk_w = topk_w * ROUTED_SCALING

    flat_idx = topk_idx.reshape(-1)                     # [T*TOP_K]
    x_rep = jnp.repeat(hidden_states, TOP_K, axis=0)    # [T*TOP_K, D]
    P = T * TOP_K
    chunk = P // N_CHUNKS
    outs = []
    for i in range(N_CHUNKS):
        xi = x_rep[i * chunk:(i + 1) * chunk]
        ei = flat_idx[i * chunk:(i + 1) * chunk]
        outs.append(_expert_chunk(xi, ei, w_gate_up, w_down))
    expert_out = jnp.concatenate(outs, axis=0).reshape(T, TOP_K, D)
    routed = jnp.sum(expert_out * topk_w[..., None].astype(hidden_states.dtype), axis=1)

    # shared expert (BailingMoEMLP with SiluAndMul)
    sh = jnp.dot(hidden_states, shared_gate_up)
    sg, su = jnp.split(sh, 2, axis=-1)
    shared = jnp.dot(jax.nn.silu(sg) * su, shared_down)
    return routed + shared

if __name__ == "__main__":
    import jax
    _d = setup_inputs()
    print(jax.jit(kernel)(*tuple(_d.values())))

</pallas_src>

<mosaic_0001>
#map = affine_map<(d0, d1) -> (0, 0)>
#map1 = affine_map<(d0, d1) -> (0)>
module attributes {stable_mosaic.version = 14 : i64} {
  func.func @k(%arg0: i32, %arg1: i32, %arg2: memref<12288x1024xf32, #tpu.memory_space<hbm>>, %arg3: memref<4096xi32, #tpu.memory_space<hbm>>, %arg4: memref<4096x1024xf32, #tpu.memory_space<hbm>>, %arg5: memref<64xi32, #tpu.memory_space<vmem>>, %arg6: memref<64x1024xf32, #tpu.memory_space<vmem>>, %arg7: memref<!tpu.dma_semaphore, #tpu.memory_space<semaphore_mem>>) attributes {dimension_semantics = [#tpu.dimension_semantics<core_parallel>, #tpu.dimension_semantics<subcore_parallel>], iteration_bounds = array<i64: 2, 16>, scalar_prefetch = 0 : i64, scratch_operands = 3 : i64, tpu.core_type = #tpu.core_type<sc_vector_subcore>, window_params = [{transform_indices = #map}, {transform_indices = #map1}, {transform_indices = #map}]} {
    %mul3A = arith.constant 2 : i32
    %mul3A_0 = arith.muli %arg1, %mul3A : i32
    %add3A = arith.addi %mul3A_0, %arg0 : i32
    %mul3A_1 = arith.constant 128 : i32
    %mul3A_2 = arith.muli %add3A, %mul3A_1 : i32
    %add3A_3 = arith.constant 0 : i32
    %add3A_4 = arith.addi %mul3A_2, %add3A_3 : i32
    "tpu.region"() ({
      %run_scoped3A = tpu.sem_alloc : memref<!tpu.dma_semaphore, #tpu.memory_space<semaphore_mem>>
      %dma_start3A_21 = tpu.memref_slice %arg3[%add3A_4] : memref<4096xi32, #tpu.memory_space<hbm>> -> memref<64xi32, #tpu.memory_space<hbm>>
      %dma_start3A_22 = tpu.memref_slice %arg3[%add3A_4] : memref<4096xi32, #tpu.memory_space<hbm>> -> memref<64xi32, #tpu.memory_space<hbm>>
      tpu.enqueue_dma source(%dma_start3A_22 : memref<64xi32, #tpu.memory_space<hbm>>) target(%arg5 : memref<64xi32, #tpu.memory_space<vmem>>) target_semaphore(%run_scoped3A : memref<!tpu.dma_semaphore, #tpu.memory_space<semaphore_mem>>)
      %dma_wait3A_23 = tpu.memref_slice %arg3[%add3A_4] : memref<4096xi32, #tpu.memory_space<hbm>> -> memref<64xi32, #tpu.memory_space<hbm>>
      %dma_wait3A_24 = tpu.memref_slice %arg3[%add3A_4] : memref<4096xi32, #tpu.memory_space<hbm>> -> memref<64xi32, #tpu.memory_space<hbm>>
      tpu.wait_dma2 semaphore(%run_scoped3A : memref<!tpu.dma_semaphore, #tpu.memory_space<semaphore_mem>>) src(%dma_wait3A_24 : memref<64xi32, #tpu.memory_space<hbm>>) dst(%arg5 : memref<64xi32, #tpu.memory_space<vmem>>)
      tpu.yield
    }) : () -> ()
    %dma_start3A = arith.constant 0 : i32
    %dma_start3A_5 = arith.constant 0 : i32
    %dma_start3A_6 = tpu.memref_slice %arg2[%dma_start3A, %dma_start3A_5] : memref<12288x1024xf32, #tpu.memory_space<hbm>> -> memref<12288x1024xf32, #tpu.memory_space<hbm>>
    tpu.enqueue_indirect_dma source(%dma_start3A_6 : memref<12288x1024xf32, #tpu.memory_space<hbm>>) target(%arg6 : memref<64x1024xf32, #tpu.memory_space<vmem>>) offsets(%arg5 : memref<64xi32, #tpu.memory_space<vmem>>) semaphore(%arg7 : memref<!tpu.dma_semaphore, #tpu.memory_space<semaphore_mem>>)
    %dma_wait3A = arith.constant 0 : i32
    %dma_wait3A_7 = arith.constant 0 : i32
    %dma_wait3A_8 = tpu.memref_slice %arg2[%dma_wait3A, %dma_wait3A_7] : memref<12288x1024xf32, #tpu.memory_space<hbm>> -> memref<12288x1024xf32, #tpu.memory_space<hbm>>
    tpu.wait_indirect_dma semaphore(%arg7 : memref<!tpu.dma_semaphore, #tpu.memory_space<semaphore_mem>>) src(%dma_wait3A_8 : memref<12288x1024xf32, #tpu.memory_space<hbm>>) dst(%arg6 : memref<64x1024xf32, #tpu.memory_space<vmem>>)
    %add3A_9 = arith.constant 0 : i32
    %add3A_10 = arith.addi %mul3A_2, %add3A_9 : i32
    "tpu.region"() ({
      %run_scoped3A = tpu.sem_alloc : memref<!tpu.dma_semaphore, #tpu.memory_space<semaphore_mem>>
      %dma_start3A_21 = arith.constant 0 : i32
      %dma_start3A_22 = tpu.memref_slice %arg4[%add3A_10, %dma_start3A_21] : memref<4096x1024xf32, #tpu.memory_space<hbm>> -> memref<64x1024xf32, #tpu.memory_space<hbm>>
      %dma_start3A_23 = arith.constant 0 : i32
      %dma_start3A_24 = tpu.memref_slice %arg4[%add3A_10, %dma_start3A_23] : memref<4096x1024xf32, #tpu.memory_space<hbm>> -> memref<64x1024xf32, #tpu.memory_space<hbm>>
      tpu.enqueue_dma source(%arg6 : memref<64x1024xf32, #tpu.memory_space<vmem>>) target(%dma_start3A_24 : memref<64x1024xf32, #tpu.memory_space<hbm>>) target_semaphore(%run_scoped3A : memref<!tpu.dma_semaphore, #tpu.memory_space<semaphore_mem>>)
      %dma_wait3A_25 = arith.constant 0 : i32
      %dma_wait3A_26 = tpu.memref_slice %arg4[%add3A_10, %dma_wait3A_25] : memref<4096x1024xf32, #tpu.memory_space<hbm>> -> memref<64x1024xf32, #tpu.memory_space<hbm>>
      %dma_wait3A_27 = arith.constant 0 : i32
      %dma_wait3A_28 = tpu.memref_slice %arg4[%add3A_10, %dma_wait3A_27] : memref<4096x1024xf32, #tpu.memory_space<hbm>> -> memref<64x1024xf32, #tpu.memory_space<hbm>>
      tpu.wait_dma2 semaphore(%run_scoped3A : memref<!tpu.dma_semaphore, #tpu.memory_space<semaphore_mem>>) src(%arg6 : memref<64x1024xf32, #tpu.memory_space<vmem>>) dst(%dma_wait3A_28 : memref<64x1024xf32, #tpu.memory_space<hbm>>)
      tpu.yield
    }) : () -> ()
    %add3A_11 = arith.constant 64 : i32
    %add3A_12 = arith.addi %mul3A_2, %add3A_11 : i32
    "tpu.region"() ({
      %run_scoped3A = tpu.sem_alloc : memref<!tpu.dma_semaphore, #tpu.memory_space<semaphore_mem>>
      %dma_start3A_21 = tpu.memref_slice %arg3[%add3A_12] : memref<4096xi32, #tpu.memory_space<hbm>> -> memref<64xi32, #tpu.memory_space<hbm>>
      %dma_start3A_22 = tpu.memref_slice %arg3[%add3A_12] : memref<4096xi32, #tpu.memory_space<hbm>> -> memref<64xi32, #tpu.memory_space<hbm>>
      tpu.enqueue_dma source(%dma_start3A_22 : memref<64xi32, #tpu.memory_space<hbm>>) target(%arg5 : memref<64xi32, #tpu.memory_space<vmem>>) target_semaphore(%run_scoped3A : memref<!tpu.dma_semaphore, #tpu.memory_space<semaphore_mem>>)
      %dma_wait3A_23 = tpu.memref_slice %arg3[%add3A_12] : memref<4096xi32, #tpu.memory_space<hbm>> -> memref<64xi32, #tpu.memory_space<hbm>>
      %dma_wait3A_24 = tpu.memref_slice %arg3[%add3A_12] : memref<4096xi32, #tpu.memory_space<hbm>> -> memref<64xi32, #tpu.memory_space<hbm>>
      tpu.wait_dma2 semaphore(%run_scoped3A : memref<!tpu.dma_semaphore, #tpu.memory_space<semaphore_mem>>) src(%dma_wait3A_24 : memref<64xi32, #tpu.memory_space<hbm>>) dst(%arg5 : memref<64xi32, #tpu.memory_space<vmem>>)
      tpu.yield
    }) : () -> ()
    %dma_start3A_13 = arith.constant 0 : i32
    %dma_start3A_14 = arith.constant 0 : i32
    %dma_start3A_15 = tpu.memref_slice %arg2[%dma_start3A_13, %dma_start3A_14] : memref<12288x1024xf32, #tpu.memory_space<hbm>> -> memref<12288x1024xf32, #tpu.memory_space<hbm>>
    tpu.enqueue_indirect_dma source(%dma_start3A_15 : memref<12288x1024xf32, #tpu.memory_space<hbm>>) target(%arg6 : memref<64x1024xf32, #tpu.memory_space<vmem>>) offsets(%arg5 : memref<64xi32, #tpu.memory_space<vmem>>) semaphore(%arg7 : memref<!tpu.dma_semaphore, #tpu.memory_space<semaphore_mem>>)
    %dma_wait3A_16 = arith.constant 0 : i32
    %dma_wait3A_17 = arith.constant 0 : i32
    %dma_wait3A_18 = tpu.memref_slice %arg2[%dma_wait3A_16, %dma_wait3A_17] : memref<12288x1024xf32, #tpu.memory_space<hbm>> -> memref<12288x1024xf32, #tpu.memory_space<hbm>>
    tpu.wait_indirect_dma semaphore(%arg7 : memref<!tpu.dma_semaphore, #tpu.memory_space<semaphore_mem>>) src(%dma_wait3A_18 : memref<12288x1024xf32, #tpu.memory_space<hbm>>) dst(%arg6 : memref<64x1024xf32, #tpu.memory_space<vmem>>)
    %add3A_19 = arith.constant 64 : i32
    %add3A_20 = arith.addi %mul3A_2, %add3A_19 : i32
    "tpu.region"() ({
      %run_scoped3A = tpu.sem_alloc : memref<!tpu.dma_semaphore, #tpu.memory_space<semaphore_mem>>
      %dma_start3A_21 = arith.constant 0 : i32
      %dma_start3A_22 = tpu.memref_slice %arg4[%add3A_20, %dma_start3A_21] : memref<4096x1024xf32, #tpu.memory_space<hbm>> -> memref<64x1024xf32, #tpu.memory_space<hbm>>
      %dma_start3A_23 = arith.constant 0 : i32
      %dma_start3A_24 = tpu.memref_slice %arg4[%add3A_20, %dma_start3A_23] : memref<4096x1024xf32, #tpu.memory_space<hbm>> -> memref<64x1024xf32, #tpu.memory_space<hbm>>
      tpu.enqueue_dma source(%arg6 : memref<64x1024xf32, #tpu.memory_space<vmem>>) target(%dma_start3A_24 : memref<64x1024xf32, #tpu.memory_space<hbm>>) target_semaphore(%run_scoped3A : memref<!tpu.dma_semaphore, #tpu.memory_space<semaphore_mem>>)
      %dma_wait3A_25 = arith.constant 0 : i32
      %dma_wait3A_26 = tpu.memref_slice %arg4[%add3A_20, %dma_wait3A_25] : memref<4096x1024xf32, #tpu.memory_space<hbm>> -> memref<64x1024xf32, #tpu.memory_space<hbm>>
      %dma_wait3A_27 = arith.constant 0 : i32
      %dma_wait3A_28 = tpu.memref_slice %arg4[%add3A_20, %dma_wait3A_27] : memref<4096x1024xf32, #tpu.memory_space<hbm>> -> memref<64x1024xf32, #tpu.memory_space<hbm>>
      tpu.wait_dma2 semaphore(%run_scoped3A : memref<!tpu.dma_semaphore, #tpu.memory_space<semaphore_mem>>) src(%arg6 : memref<64x1024xf32, #tpu.memory_space<vmem>>) dst(%dma_wait3A_28 : memref<64x1024xf32, #tpu.memory_space<hbm>>)
      tpu.yield
    }) : () -> ()
    return
  }
}

#map = affine_map<(d0, d1) -> (0, 0)>
#map1 = affine_map<(d0, d1) -> (0)>
module attributes {stable_mosaic.version = 14 : i64} {
  func.func @k(%arg0: i32, %arg1: i32, %arg2: memref<2048x1024xf32, #tpu.memory_space<hbm>>, %arg3: memref<4096xi32, #tpu.memory_space<hbm>>, %arg4: memref<12288x1024xf32, #tpu.memory_space<hbm>>, %arg5: memref<64xi32, #tpu.memory_space<vmem>>, %arg6: memref<64x1024xf32, #tpu.memory_space<vmem>>, %arg7: memref<!tpu.dma_semaphore, #tpu.memory_space<semaphore_mem>>) attributes {dimension_semantics = [#tpu.dimension_semantics<core_parallel>, #tpu.dimension_semantics<subcore_parallel>], iteration_bounds = array<i64: 2, 16>, scalar_prefetch = 0 : i64, scratch_operands = 3 : i64, tpu.core_type = #tpu.core_type<sc_vector_subcore>, window_params = [{transform_indices = #map}, {transform_indices = #map1}, {transform_indices = #map}]} {
    %mul3A = arith.constant 2 : i32
    %mul3A_0 = arith.muli %arg1, %mul3A : i32
    %add3A = arith.addi %mul3A_0, %arg0 : i32
    %mul3A_1 = arith.constant 128 : i32
    %mul3A_2 = arith.muli %add3A, %mul3A_1 : i32
    %rem3A = arith.constant 2048 : i32
    %rem3A_3 = arith.remsi %mul3A_2, %rem3A : i32
    %add3A_4 = arith.constant 0 : i32
    %add3A_5 = arith.addi %mul3A_2, %add3A_4 : i32
    "tpu.region"() ({
      %run_scoped3A = tpu.sem_alloc : memref<!tpu.dma_semaphore, #tpu.memory_space<semaphore_mem>>
      %dma_start3A_22 = tpu.memref_slice %arg3[%add3A_5] : memref<4096xi32, #tpu.memory_space<hbm>> -> memref<64xi32, #tpu.memory_space<hbm>>
      %dma_start3A_23 = tpu.memref_slice %arg3[%add3A_5] : memref<4096xi32, #tpu.memory_space<hbm>> -> memref<64xi32, #tpu.memory_space<hbm>>
      tpu.enqueue_dma source(%dma_start3A_23 : memref<64xi32, #tpu.memory_space<hbm>>) target(%arg5 : memref<64xi32, #tpu.memory_space<vmem>>) target_semaphore(%run_scoped3A : memref<!tpu.dma_semaphore, #tpu.memory_space<semaphore_mem>>)
      %dma_wait3A_24 = tpu.memref_slice %arg3[%add3A_5] : memref<4096xi32, #tpu.memory_space<hbm>> -> memref<64xi32, #tpu.memory_space<hbm>>
      %dma_wait3A_25 = tpu.memref_slice %arg3[%add3A_5] : memref<4096xi32, #tpu.memory_space<hbm>> -> memref<64xi32, #tpu.memory_space<hbm>>
      tpu.wait_dma2 semaphore(%run_scoped3A : memref<!tpu.dma_semaphore, #tpu.memory_space<semaphore_mem>>) src(%dma_wait3A_25 : memref<64xi32, #tpu.memory_space<hbm>>) dst(%arg5 : memref<64xi32, #tpu.memory_space<vmem>>)
      tpu.yield
    }) : () -> ()
    %add3A_6 = arith.constant 0 : i32
    %add3A_7 = arith.addi %rem3A_3, %add3A_6 : i32
    "tpu.region"() ({
      %run_scoped3A = tpu.sem_alloc : memref<!tpu.dma_semaphore, #tpu.memory_space<semaphore_mem>>
      %dma_start3A_22 = arith.constant 0 : i32
      %dma_start3A_23 = tpu.memref_slice %arg2[%add3A_7, %dma_start3A_22] : memref<2048x1024xf32, #tpu.memory_space<hbm>> -> memref<64x1024xf32, #tpu.memory_space<hbm>>
      %dma_start3A_24 = arith.constant 0 : i32
      %dma_start3A_25 = tpu.memref_slice %arg2[%add3A_7, %dma_start3A_24] : memref<2048x1024xf32, #tpu.memory_space<hbm>> -> memref<64x1024xf32, #tpu.memory_space<hbm>>
      tpu.enqueue_dma source(%dma_start3A_25 : memref<64x1024xf32, #tpu.memory_space<hbm>>) target(%arg6 : memref<64x1024xf32, #tpu.memory_space<vmem>>) target_semaphore(%run_scoped3A : memref<!tpu.dma_semaphore, #tpu.memory_space<semaphore_mem>>)
      %dma_wait3A_26 = arith.constant 0 : i32
      %dma_wait3A_27 = tpu.memref_slice %arg2[%add3A_7, %dma_wait3A_26] : memref<2048x1024xf32, #tpu.memory_space<hbm>> -> memref<64x1024xf32, #tpu.memory_space<hbm>>
      %dma_wait3A_28 = arith.constant 0 : i32
      %dma_wait3A_29 = tpu.memref_slice %arg2[%add3A_7, %dma_wait3A_28] : memref<2048x1024xf32, #tpu.memory_space<hbm>> -> memref<64x1024xf32, #tpu.memory_space<hbm>>
      tpu.wait_dma2 semaphore(%run_scoped3A : memref<!tpu.dma_semaphore, #tpu.memory_space<semaphore_mem>>) src(%dma_wait3A_29 : memref<64x1024xf32, #tpu.memory_space<hbm>>) dst(%arg6 : memref<64x1024xf32, #tpu.memory_space<vmem>>)
      tpu.yield
    }) : () -> ()
    %dma_start3A = arith.constant 0 : i32
    %dma_start3A_8 = arith.constant 0 : i32
    %dma_start3A_9 = tpu.memref_slice %arg4[%dma_start3A, %dma_start3A_8] : memref<12288x1024xf32, #tpu.memory_space<hbm>> -> memref<12288x1024xf32, #tpu.memory_space<hbm>>
    tpu.enqueue_indirect_dma source(%arg6 : memref<64x1024xf32, #tpu.memory_space<vmem>>) target(%dma_start3A_9 : memref<12288x1024xf32, #tpu.memory_space<hbm>>) offsets(%arg5 : memref<64xi32, #tpu.memory_space<vmem>>) semaphore(%arg7 : memref<!tpu.dma_semaphore, #tpu.memory_space<semaphore_mem>>)
    %dma_wait3A = arith.constant 0 : i32
    %dma_wait3A_10 = arith.constant 0 : i32
    %dma_wait3A_11 = tpu.memref_slice %arg4[%dma_wait3A, %dma_wait3A_10] : memref<12288x1024xf32, #tpu.memory_space<hbm>> -> memref<12288x1024xf32, #tpu.memory_space<hbm>>
    tpu.wait_indirect_dma semaphore(%arg7 : memref<!tpu.dma_semaphore, #tpu.memory_space<semaphore_mem>>) src(%arg6 : memref<64x1024xf32, #tpu.memory_space<vmem>>) dst(%dma_wait3A_11 : memref<12288x1024xf32, #tpu.memory_space<hbm>>)
    %add3A_12 = arith.constant 64 : i32
    %add3A_13 = arith.addi %mul3A_2, %add3A_12 : i32
    "tpu.region"() ({
      %run_scoped3A = tpu.sem_alloc : memref<!tpu.dma_semaphore, #tpu.memory_space<semaphore_mem>>
      %dma_start3A_22 = tpu.memref_slice %arg3[%add3A_13] : memref<4096xi32, #tpu.memory_space<hbm>> -> memref<64xi32, #tpu.memory_space<hbm>>
      %dma_start3A_23 = tpu.memref_slice %arg3[%add3A_13] : memref<4096xi32, #tpu.memory_space<hbm>> -> memref<64xi32, #tpu.memory_space<hbm>>
      tpu.enqueue_dma source(%dma_start3A_23 : memref<64xi32, #tpu.memory_space<hbm>>) target(%arg5 : memref<64xi32, #tpu.memory_space<vmem>>) target_semaphore(%run_scoped3A : memref<!tpu.dma_semaphore, #tpu.memory_space<semaphore_mem>>)
      %dma_wait3A_24 = tpu.memref_slice %arg3[%add3A_13] : memref<4096xi32, #tpu.memory_space<hbm>> -> memref<64xi32, #tpu.memory_space<hbm>>
      %dma_wait3A_25 = tpu.memref_slice %arg3[%add3A_13] : memref<4096xi32, #tpu.memory_space<hbm>> -> memref<64xi32, #tpu.memory_space<hbm>>
      tpu.wait_dma2 semaphore(%run_scoped3A : memref<!tpu.dma_semaphore, #tpu.memory_space<semaphore_mem>>) src(%dma_wait3A_25 : memref<64xi32, #tpu.memory_space<hbm>>) dst(%arg5 : memref<64xi32, #tpu.memory_space<vmem>>)
      tpu.yield
    }) : () -> ()
    %add3A_14 = arith.constant 64 : i32
    %add3A_15 = arith.addi %rem3A_3, %add3A_14 : i32
    "tpu.region"() ({
      %run_scoped3A = tpu.sem_alloc : memref<!tpu.dma_semaphore, #tpu.memory_space<semaphore_mem>>
      %dma_start3A_22 = arith.constant 0 : i32
      %dma_start3A_23 = tpu.memref_slice %arg2[%add3A_15, %dma_start3A_22] : memref<2048x1024xf32, #tpu.memory_space<hbm>> -> memref<64x1024xf32, #tpu.memory_space<hbm>>
      %dma_start3A_24 = arith.constant 0 : i32
      %dma_start3A_25 = tpu.memref_slice %arg2[%add3A_15, %dma_start3A_24] : memref<2048x1024xf32, #tpu.memory_space<hbm>> -> memref<64x1024xf32, #tpu.memory_space<hbm>>
      tpu.enqueue_dma source(%dma_start3A_25 : memref<64x1024xf32, #tpu.memory_space<hbm>>) target(%arg6 : memref<64x1024xf32, #tpu.memory_space<vmem>>) target_semaphore(%run_scoped3A : memref<!tpu.dma_semaphore, #tpu.memory_space<semaphore_mem>>)
      %dma_wait3A_26 = arith.constant 0 : i32
      %dma_wait3A_27 = tpu.memref_slice %arg2[%add3A_15, %dma_wait3A_26] : memref<2048x1024xf32, #tpu.memory_space<hbm>> -> memref<64x1024xf32, #tpu.memory_space<hbm>>
      %dma_wait3A_28 = arith.constant 0 : i32
      %dma_wait3A_29 = tpu.memref_slice %arg2[%add3A_15, %dma_wait3A_28] : memref<2048x1024xf32, #tpu.memory_space<hbm>> -> memref<64x1024xf32, #tpu.memory_space<hbm>>
      tpu.wait_dma2 semaphore(%run_scoped3A : memref<!tpu.dma_semaphore, #tpu.memory_space<semaphore_mem>>) src(%dma_wait3A_29 : memref<64x1024xf32, #tpu.memory_space<hbm>>) dst(%arg6 : memref<64x1024xf32, #tpu.memory_space<vmem>>)
      tpu.yield
    }) : () -> ()
    %dma_start3A_16 = arith.constant 0 : i32
    %dma_start3A_17 = arith.constant 0 : i32
    %dma_start3A_18 = tpu.memref_slice %arg4[%dma_start3A_16, %dma_start3A_17] : memref<12288x1024xf32, #tpu.memory_space<hbm>> -> memref<12288x1024xf32, #tpu.memory_space<hbm>>
    tpu.enqueue_indirect_dma source(%arg6 : memref<64x1024xf32, #tpu.memory_space<vmem>>) target(%dma_start3A_18 : memref<12288x1024xf32, #tpu.memory_space<hbm>>) offsets(%arg5 : memref<64xi32, #tpu.memory_space<vmem>>) semaphore(%arg7 : memref<!tpu.dma_semaphore, #tpu.memory_space<semaphore_mem>>)
    %dma_wait3A_19 = arith.constant 0 : i32
    %dma_wait3A_20 = arith.constant 0 : i32
    %dma_wait3A_21 = tpu.memref_slice %arg4[%dma_wait3A_19, %dma_wait3A_20] : memref<12288x1024xf32, #tpu.memory_space<hbm>> -> memref<12288x1024xf32, #tpu.memory_space<hbm>>
    tpu.wait_indirect_dma semaphore(%arg7 : memref<!tpu.dma_semaphore, #tpu.memory_space<semaphore_mem>>) src(%arg6 : memref<64x1024xf32, #tpu.memory_space<vmem>>) dst(%dma_wait3A_21 : memref<12288x1024xf32, #tpu.memory_space<hbm>>)
    return
  }
}

module attributes {stable_mosaic.version = 14 : i64} {
  func.func @_router_kernel(%arg0: memref<2048x1024xf32, #tpu.memory_space<vmem>>, %arg1: memref<64x1024xf32, #tpu.memory_space<vmem>>, %arg2: memref<2048x2xf32, #tpu.memory_space<vmem>>, %arg3: memref<2048x2xi32, #tpu.memory_space<vmem>>, %arg4: memref<96x1xi32, #tpu.memory_space<vmem>>) attributes {dimension_semantics = [], scalar_prefetch = 0 : i64, scratch_operands = 0 : i64, tpu.core_type = #tpu.core_type<tc>} {
    %get3A = arith.constant 0 : index
    %get3A_0 = arith.constant 0 : index
    %get3A_1 = vector.load %arg0[%get3A, %get3A_0] : memref<2048x1024xf32, #tpu.memory_space<vmem>>, vector<2048x1024xf32>
    %get3A_2 = arith.constant 0 : index
    %get3A_3 = arith.constant 0 : index
    %get3A_4 = vector.load %arg1[%get3A_2, %get3A_3] : memref<64x1024xf32, #tpu.memory_space<vmem>>, vector<64x1024xf32>
    %dot_general3A = arith.constant dense<0.000000e+00> : vector<2048x64xf32>
    %dot_general3A_5 = tpu.matmul %get3A_1, %get3A_4, %dot_general3A {dimension_numbers = #tpu.dot_dimension_numbers<[1], [1], [0], [0], [0, 0, 1, 0], [], []>, transpose_lhs_hint = false} : vector<2048x1024xf32>, vector<64x1024xf32>, vector<2048x64xf32> -> vector<2048x64xf32>
    %reduce_max3A = arith.constant dense<0xFF800000> : vector<2048xf32>
    %reduce_max3A_6 = vector.multi_reduction <maximumf>, %dot_general3A_5, %reduce_max3A [1] : vector<2048x64xf32> to vector<2048xf32>
    %broadcast_in_dim3A = vector.shape_cast %reduce_max3A_6 : vector<2048xf32> to vector<2048x1xf32>
    %argmax3A = tpu.reduce_index %dot_general3A_5 {axis = 1 : i32, kind = #tpu.reduction_kind<arg_max>} : vector<2048x64xf32> -> vector<2048xi32>
    %broadcast_in_dim3A_7 = vector.shape_cast %argmax3A : vector<2048xi32> to vector<2048x1xi32>
    %iota3A = tpu.iota {dimensions = array<i32: 1>} : vector<2048x64xi32>
    %eq3A = vector.broadcast %broadcast_in_dim3A_7 : vector<2048x1xi32> to vector<2048x64xi32>
    %eq3A_8 = arith.cmpi eq, %iota3A, %eq3A : vector<2048x64xi32>
    %jit3A = arith.constant 0xFF800000 : f32
    %broadcast_in_dim3A_9 = vector.broadcast %jit3A : f32 to vector<2048x64xf32>
    %select_n3A = arith.select %eq3A_8, %broadcast_in_dim3A_9, %dot_general3A_5 : vector<2048x64xi1>, vector<2048x64xf32>
    %reduce_max3A_10 = arith.constant dense<0xFF800000> : vector<2048xf32>
    %reduce_max3A_11 = vector.multi_reduction <maximumf>, %select_n3A, %reduce_max3A_10 [1] : vector<2048x64xf32> to vector<2048xf32>
    %broadcast_in_dim3A_12 = vector.shape_cast %reduce_max3A_11 : vector<2048xf32> to vector<2048x1xf32>
    %argmax3A_13 = tpu.reduce_index %select_n3A {axis = 1 : i32, kind = #tpu.reduction_kind<arg_max>} : vector<2048x64xf32> -> vector<2048xi32>
    %broadcast_in_dim3A_14 = vector.shape_cast %argmax3A_13 : vector<2048xi32> to vector<2048x1xi32>
    %sub3A = arith.subf %broadcast_in_dim3A_12, %broadcast_in_dim3A : vector<2048x1xf32>
    %exp3A = math.exp %sub3A : vector<2048x1xf32>
    %add3A = arith.constant 1.000000e+00 : f32
    %add3A_15 = vector.broadcast %add3A : f32 to vector<2048x1xf32>
    %add3A_16 = arith.addf %add3A_15, %exp3A : vector<2048x1xf32>
    %div3A = arith.constant 1.000000e+00 : f32
    %div3A_17 = vector.broadcast %div3A : f32 to vector<2048x1xf32>
    %div3A_18 = arith.divf %div3A_17, %add3A_16 : vector<2048x1xf32>
    %div3A_19 = arith.divf %exp3A, %add3A_16 : vector<2048x1xf32>
    %concatenate3A = tpu.concatenate %div3A_18, %div3A_19 in 1 : vector<2048x1xf32>, vector<2048x1xf32> -> vector<2048x2xf32>
    %swap3A = arith.constant 0 : index
    %swap3A_20 = arith.constant 0 : index
    %swap3A_21 = vector.load %arg2[%swap3A, %swap3A_20] : memref<2048x2xf32, #tpu.memory_space<vmem>>, vector<2048x2xf32>
    tpu.vector_store %arg2[%swap3A, %swap3A_20], %concatenate3A {strides = array<i32>} : memref<2048x2xf32, #tpu.memory_space<vmem>>, vector<2048x2xf32>,
    %eq3A_22 = vector.broadcast %broadcast_in_dim3A_7 : vector<2048x1xi32> to vector<2048x64xi32>
    %eq3A_23 = arith.cmpi eq, %iota3A, %eq3A_22 : vector<2048x64xi32>
    %eq3A_24 = vector.broadcast %broadcast_in_dim3A_14 : vector<2048x1xi32> to vector<2048x64xi32>
    %eq3A_25 = arith.cmpi eq, %iota3A, %eq3A_24 : vector<2048x64xi32>
    %concatenate3A_26 = tpu.concatenate %eq3A_23, %eq3A_25 in 0 : vector<2048x64xi1>, vector<2048x64xi1> -> vector<4096x64xi1>
    %convert_element_type3A = arith.extui %concatenate3A_26 : vector<4096x64xi1> to vector<4096x64xi32>
    %broadcast_in_dim3A_27 = arith.constant 0 : i32
    %broadcast_in_dim3A_28 = vector.broadcast %broadcast_in_dim3A_27 : i32 to vector<1x64xi32>
    %slice3A = vector.extract_strided_slice %convert_element_type3A {offsets = [0, 0], sizes = [4095, 64], strides = [1, 1]} : vector<4096x64xi32> to vector<4095x64xi32>
    %concatenate3A_29 = tpu.concatenate %broadcast_in_dim3A_28, %slice3A in 0 : vector<1x64xi32>, vector<4095x64xi32> -> vector<4096x64xi32>
    %add3A_30 = arith.addi %convert_element_type3A, %concatenate3A_29 : vector<4096x64xi32>
    %broadcast_in_dim3A_31 = arith.constant 0 : i32
    %broadcast_in_dim3A_32 = vector.broadcast %broadcast_in_dim3A_31 : i32 to vector<2x64xi32>
    %slice3A_33 = vector.extract_strided_slice %add3A_30 {offsets = [0, 0], sizes = [4094, 64], strides = [1, 1]} : vector<4096x64xi32> to vector<4094x64xi32>
    %concatenate3A_34 = tpu.concatenate %broadcast_in_dim3A_32, %slice3A_33 in 0 : vector<2x64xi32>, vector<4094x64xi32> -> vector<4096x64xi32>
    %add3A_35 = arith.addi %add3A_30, %concatenate3A_34 : vector<4096x64xi32>
    %broadcast_in_dim3A_36 = arith.constant 0 : i32
    %broadcast_in_dim3A_37 = vector.broadcast %broadcast_in_dim3A_36 : i32 to vector<4x64xi32>
    %slice3A_38 = vector.extract_strided_slice %add3A_35 {offsets = [0, 0], sizes = [4092, 64], strides = [1, 1]} : vector<4096x64xi32> to vector<4092x64xi32>
    %concatenate3A_39 = tpu.concatenate %broadcast_in_dim3A_37, %slice3A_38 in 0 : vector<4x64xi32>, vector<4092x64xi32> -> vector<4096x64xi32>
    %add3A_40 = arith.addi %add3A_35, %concatenate3A_39 : vector<4096x64xi32>
    %broadcast_in_dim3A_41 = arith.constant 0 : i32
    %broadcast_in_dim3A_42 = vector.broadcast %broadcast_in_dim3A_41 : i32 to vector<8x64xi32>
    %slice3A_43 = vector.extract_strided_slice %add3A_40 {offsets = [0, 0], sizes = [4088, 64], strides = [1, 1]} : vector<4096x64xi32> to vector<4088x64xi32>
    %concatenate3A_44 = tpu.concatenate %broadcast_in_dim3A_42, %slice3A_43 in 0 : vector<8x64xi32>, vector<4088x64xi32> -> vector<4096x64xi32>
    %add3A_45 = arith.addi %add3A_40, %concatenate3A_44 : vector<4096x64xi32>
    %broadcast_in_dim3A_46 = arith.constant 0 : i32
    %broadcast_in_dim3A_47 = vector.broadcast %broadcast_in_dim3A_46 : i32 to vector<16x64xi32>
    %slice3A_48 = vector.extract_strided_slice %add3A_45 {offsets = [0, 0], sizes = [4080, 64], strides = [1, 1]} : vector<4096x64xi32> to vector<4080x64xi32>
    %concatenate3A_49 = tpu.concatenate %broadcast_in_dim3A_47, %slice3A_48 in 0 : vector<16x64xi32>, vector<4080x64xi32> -> vector<4096x64xi32>
    %add3A_50 = arith.addi %add3A_45, %concatenate3A_49 : vector<4096x64xi32>
    %broadcast_in_dim3A_51 = arith.constant 0 : i32
    %broadcast_in_dim3A_52 = vector.broadcast %broadcast_in_dim3A_51 : i32 to vector<32x64xi32>
    %slice3A_53 = vector.extract_strided_slice %add3A_50 {offsets = [0, 0], sizes = [4064, 64], strides = [1, 1]} : vector<4096x64xi32> to vector<4064x64xi32>
    %concatenate3A_54 = tpu.concatenate %broadcast_in_dim3A_52, %slice3A_53 in 0 : vector<32x64xi32>, vector<4064x64xi32> -> vector<4096x64xi32>
    %add3A_55 = arith.addi %add3A_50, %concatenate3A_54 : vector<4096x64xi32>
    %broadcast_in_dim3A_56 = arith.constant 0 : i32
    %broadcast_in_dim3A_57 = vector.broadcast %broadcast_in_dim3A_56 : i32 to vector<64x64xi32>
    %slice3A_58 = vector.extract_strided_slice %add3A_55 {offsets = [0, 0], sizes = [4032, 64], strides = [1, 1]} : vector<4096x64xi32> to vector<4032x64xi32>
    %concatenate3A_59 = tpu.concatenate %broadcast_in_dim3A_57, %slice3A_58 in 0 : vector<64x64xi32>, vector<4032x64xi32> -> vector<4096x64xi32>
    %add3A_60 = arith.addi %add3A_55, %concatenate3A_59 : vector<4096x64xi32>
    %broadcast_in_dim3A_61 = arith.constant 0 : i32
    %broadcast_in_dim3A_62 = vector.broadcast %broadcast_in_dim3A_61 : i32 to vector<128x64xi32>
    %slice3A_63 = vector.extract_strided_slice %add3A_60 {offsets = [0, 0], sizes = [3968, 64], strides = [1, 1]} : vector<4096x64xi32> to vector<3968x64xi32>
    %concatenate3A_64 = tpu.concatenate %broadcast_in_dim3A_62, %slice3A_63 in 0 : vector<128x64xi32>, vector<3968x64xi32> -> vector<4096x64xi32>
    %add3A_65 = arith.addi %add3A_60, %concatenate3A_64 : vector<4096x64xi32>
    %broadcast_in_dim3A_66 = arith.constant 0 : i32
    %broadcast_in_dim3A_67 = vector.broadcast %broadcast_in_dim3A_66 : i32 to vector<256x64xi32>
    %slice3A_68 = vector.extract_strided_slice %add3A_65 {offsets = [0, 0], sizes = [3840, 64], strides = [1, 1]} : vector<4096x64xi32> to vector<3840x64xi32>
    %concatenate3A_69 = tpu.concatenate %broadcast_in_dim3A_67, %slice3A_68 in 0 : vector<256x64xi32>, vector<3840x64xi32> -> vector<4096x64xi32>
    %add3A_70 = arith.addi %add3A_65, %concatenate3A_69 : vector<4096x64xi32>
    %broadcast_in_dim3A_71 = arith.constant 0 : i32
    %broadcast_in_dim3A_72 = vector.broadcast %broadcast_in_dim3A_71 : i32 to vector<512x64xi32>
    %slice3A_73 = vector.extract_strided_slice %add3A_70 {offsets = [0, 0], sizes = [3584, 64], strides = [1, 1]} : vector<4096x64xi32> to vector<3584x64xi32>
    %concatenate3A_74 = tpu.concatenate %broadcast_in_dim3A_72, %slice3A_73 in 0 : vector<512x64xi32>, vector<3584x64xi32> -> vector<4096x64xi32>
    %add3A_75 = arith.addi %add3A_70, %concatenate3A_74 : vector<4096x64xi32>
    %broadcast_in_dim3A_76 = arith.constant 0 : i32
    %broadcast_in_dim3A_77 = vector.broadcast %broadcast_in_dim3A_76 : i32 to vector<1024x64xi32>
    %slice3A_78 = vector.extract_strided_slice %add3A_75 {offsets = [0, 0], sizes = [3072, 64], strides = [1, 1]} : vector<4096x64xi32> to vector<3072x64xi32>
    %concatenate3A_79 = tpu.concatenate %broadcast_in_dim3A_77, %slice3A_78 in 0 : vector<1024x64xi32>, vector<3072x64xi32> -> vector<4096x64xi32>
    %add3A_80 = arith.addi %add3A_75, %concatenate3A_79 : vector<4096x64xi32>
    %broadcast_in_dim3A_81 = arith.constant 0 : i32
    %broadcast_in_dim3A_82 = vector.broadcast %broadcast_in_dim3A_81 : i32 to vector<2048x64xi32>
    %slice3A_83 = vector.extract_strided_slice %add3A_80 {offsets = [0, 0], sizes = [2048, 64], strides = [1, 1]} : vector<4096x64xi32> to vector<2048x64xi32>
    %concatenate3A_84 = tpu.concatenate %broadcast_in_dim3A_82, %slice3A_83 in 0 : vector<2048x64xi32>, vector<2048x64xi32> -> vector<4096x64xi32>
    %add3A_85 = arith.addi %add3A_80, %concatenate3A_84 : vector<4096x64xi32>
    %slice3A_86 = vector.extract_strided_slice %add3A_85 {offsets = [4095, 0], sizes = [1, 64], strides = [1, 1]} : vector<4096x64xi32> to vector<1x64xi32>
    %mul3A = arith.muli %convert_element_type3A, %add3A_85 : vector<4096x64xi32>
    %reduce_sum3A = arith.constant dense<0> : vector<4096xi32>
    %reduce_sum3A_87 = vector.multi_reduction <add>, %mul3A, %reduce_sum3A [1] : vector<4096x64xi32> to vector<4096xi32>
    %broadcast_in_dim3A_88 = vector.shape_cast %reduce_sum3A_87 : vector<4096xi32> to vector<4096x1xi32>
    %sub3A_89 = arith.constant 1 : i32
    %sub3A_90 = vector.broadcast %sub3A_89 : i32 to vector<4096x1xi32>
    %sub3A_91 = arith.subi %broadcast_in_dim3A_88, %sub3A_90 : vector<4096x1xi32>
    %add3A_92 = arith.constant 127 : i32
    %add3A_93 = vector.broadcast %add3A_92 : i32 to vector<1x64xi32>
    %add3A_94 = arith.addi %slice3A_86, %add3A_93 : vector<1x64xi32>
    %jit3A_95 = arith.constant 128 : i32
    %div3A_96 = vector.broadcast %jit3A_95 : i32 to vector<1x64xi32>
    %div3A_97 = arith.divsi %add3A_94, %div3A_96 : vector<1x64xi32>
    %sign3A = arith.constant 0 : i32
    %sign3A_98 = vector.broadcast %sign3A : i32 to vector<1x64xi32>
    %sign3A_99 = arith.cmpi sgt, %add3A_94, %sign3A_98 : vector<1x64xi32>
    %sign3A_100 = arith.extui %sign3A_99 : vector<1x64xi1> to vector<1x64xi32>
    %sign3A_101 = arith.constant 0 : i32
    %sign3A_102 = vector.broadcast %sign3A_101 : i32 to vector<1x64xi32>
    %sign3A_103 = arith.cmpi slt, %add3A_94, %sign3A_102 : vector<1x64xi32>
    %sign3A_104 = arith.extui %sign3A_103 : vector<1x64xi1> to vector<1x64xi32>
    %sign3A_105 = arith.subi %sign3A_100, %sign3A_104 : vector<1x64xi32>
    %sign3A_106 = arith.constant 0 : i32
    %sign3A_107 = arith.cmpi sgt, %jit3A_95, %sign3A_106 : i32
    %sign3A_108 = arith.extui %sign3A_107 : i1 to i32
    %sign3A_109 = arith.constant 0 : i32
    %sign3A_110 = arith.cmpi slt, %jit3A_95, %sign3A_109 : i32
    %sign3A_111 = arith.extui %sign3A_110 : i1 to i32
    %sign3A_112 = arith.subi %sign3A_108, %sign3A_111 : i32
    %ne3A = vector.broadcast %sign3A_112 : i32 to vector<1x64xi32>
    %ne3A_113 = arith.cmpi ne, %sign3A_105, %ne3A : vector<1x64xi32>
    %rem3A = vector.broadcast %jit3A_95 : i32 to vector<1x64xi32>
    %rem3A_114 = arith.remsi %add3A_94, %rem3A : vector<1x64xi32>
    %ne3A_115 = arith.constant 0 : i32
    %ne3A_116 = vector.broadcast %ne3A_115 : i32 to vector<1x64xi32>
    %ne3A_117 = arith.cmpi ne, %rem3A_114, %ne3A_116 : vector<1x64xi32>
    %and3A = arith.andi %ne3A_113, %ne3A_117 : vector<1x64xi1>
    %sub3A_118 = arith.constant 1 : i32
    %sub3A_119 = vector.broadcast %sub3A_118 : i32 to vector<1x64xi32>
    %sub3A_120 = arith.subi %div3A_97, %sub3A_119 : vector<1x64xi32>
    %select_n3A_121 = arith.select %and3A, %sub3A_120, %div3A_97 : vector<1x64xi1>, vector<1x64xi32>
    %mul3A_122 = arith.constant 128 : i32
    %mul3A_123 = vector.broadcast %mul3A_122 : i32 to vector<1x64xi32>
    %mul3A_124 = arith.muli %select_n3A_121, %mul3A_123 : vector<1x64xi32>
    %broadcast_in_dim3A_125 = arith.constant 0 : i32
    %broadcast_in_dim3A_126 = vector.broadcast %broadcast_in_dim3A_125 : i32 to vector<1x1xi32>
    %slice3A_127 = vector.extract_strided_slice %mul3A_124 {offsets = [0, 0], sizes = [1, 63], strides = [1, 1]} : vector<1x64xi32> to vector<1x63xi32>
    %concatenate3A_128 = tpu.concatenate %broadcast_in_dim3A_126, %slice3A_127 in 1 : vector<1x1xi32>, vector<1x63xi32> -> vector<1x64xi32>
    %add3A_129 = arith.addi %mul3A_124, %concatenate3A_128 : vector<1x64xi32>
    %broadcast_in_dim3A_130 = arith.constant 0 : i32
    %broadcast_in_dim3A_131 = vector.broadcast %broadcast_in_dim3A_130 : i32 to vector<1x2xi32>
    %slice3A_132 = vector.extract_strided_slice %add3A_129 {offsets = [0, 0], sizes = [1, 62], strides = [1, 1]} : vector<1x64xi32> to vector<1x62xi32>
    %concatenate3A_133 = tpu.concatenate %broadcast_in_dim3A_131, %slice3A_132 in 1 : vector<1x2xi32>, vector<1x62xi32> -> vector<1x64xi32>
    %add3A_134 = arith.addi %add3A_129, %concatenate3A_133 : vector<1x64xi32>
    %broadcast_in_dim3A_135 = arith.constant 0 : i32
    %broadcast_in_dim3A_136 = vector.broadcast %broadcast_in_dim3A_135 : i32 to vector<1x4xi32>
    %slice3A_137 = vector.extract_strided_slice %add3A_134 {offsets = [0, 0], sizes = [1, 60], strides = [1, 1]} : vector<1x64xi32> to vector<1x60xi32>
    %concatenate3A_138 = tpu.concatenate %broadcast_in_dim3A_136, %slice3A_137 in 1 : vector<1x4xi32>, vector<1x60xi32> -> vector<1x64xi32>
    %add3A_139 = arith.addi %add3A_134, %concatenate3A_138 : vector<1x64xi32>
    %broadcast_in_dim3A_140 = arith.constant 0 : i32
    %broadcast_in_dim3A_141 = vector.broadcast %broadcast_in_dim3A_140 : i32 to vector<1x8xi32>
    %slice3A_142 = vector.extract_strided_slice %add3A_139 {offsets = [0, 0], sizes = [1, 56], strides = [1, 1]} : vector<1x64xi32> to vector<1x56xi32>
    %concatenate3A_143 = tpu.concatenate %broadcast_in_dim3A_141, %slice3A_142 in 1 : vector<1x8xi32>, vector<1x56xi32> -> vector<1x64xi32>
    %add3A_144 = arith.addi %add3A_139, %concatenate3A_143 : vector<1x64xi32>
    %broadcast_in_dim3A_145 = arith.constant 0 : i32
    %broadcast_in_dim3A_146 = vector.broadcast %broadcast_in_dim3A_145 : i32 to vector<1x16xi32>
    %slice3A_147 = vector.extract_strided_slice %add3A_144 {offsets = [0, 0], sizes = [1, 48], strides = [1, 1]} : vector<1x64xi32> to vector<1x48xi32>
    %concatenate3A_148 = tpu.concatenate %broadcast_in_dim3A_146, %slice3A_147 in 1 : vector<1x16xi32>, vector<1x48xi32> -> vector<1x64xi32>
    %add3A_149 = arith.addi %add3A_144, %concatenate3A_148 : vector<1x64xi32>
    %broadcast_in_dim3A_150 = arith.constant 0 : i32
    %broadcast_in_dim3A_151 = vector.broadcast %broadcast_in_dim3A_150 : i32 to vector<1x32xi32>
    %slice3A_152 = vector.extract_strided_slice %add3A_149 {offsets = [0, 0], sizes = [1, 32], strides = [1, 1]} : vector<1x64xi32> to vector<1x32xi32>
    %concatenate3A_153 = tpu.concatenate %broadcast_in_dim3A_151, %slice3A_152 in 1 : vector<1x32xi32>, vector<1x32xi32> -> vector<1x64xi32>
    %add3A_154 = arith.addi %add3A_149, %concatenate3A_153 : vector<1x64xi32>
    %sub3A_155 = arith.subi %add3A_154, %mul3A_124 : vector<1x64xi32>
    %mul3A_156 = vector.broadcast %sub3A_155 : vector<1x64xi32> to vector<4096x64xi32>
    %mul3A_157 = arith.muli %convert_element_type3A, %mul3A_156 : vector<4096x64xi32>
    %reduce_sum3A_158 = arith.constant dense<0> : vector<4096xi32>
    %reduce_sum3A_159 = vector.multi_reduction <add>, %mul3A_157, %reduce_sum3A_158 [1] : vector<4096x64xi32> to vector<4096xi32>
    %broadcast_in_dim3A_160 = vector.shape_cast %reduce_sum3A_159 : vector<4096xi32> to vector<4096x1xi32>
    %add3A_161 = arith.addi %broadcast_in_dim3A_160, %sub3A_91 : vector<4096x1xi32>
    %slice3A_162 = vector.extract_strided_slice %add3A_161 {offsets = [0, 0], sizes = [2048, 1], strides = [1, 1]} : vector<4096x1xi32> to vector<2048x1xi32>
    %slice3A_163 = vector.extract_strided_slice %add3A_161 {offsets = [2048, 0], sizes = [2048, 1], strides = [1, 1]} : vector<4096x1xi32> to vector<2048x1xi32>
    %concatenate3A_164 = tpu.concatenate %slice3A_162, %slice3A_163 in 1 : vector<2048x1xi32>, vector<2048x1xi32> -> vector<2048x2xi32>
    %swap3A_165 = arith.constant 0 : index
    %swap3A_166 = arith.constant 0 : index
    %swap3A_167 = vector.load %arg3[%swap3A_165, %swap3A_166] : memref<2048x2xi32, #tpu.memory_space<vmem>>, vector<2048x2xi32>
    tpu.vector_store %arg3[%swap3A_165, %swap3A_166], %concatenate3A_164 {strides = array<i32>} : memref<2048x2xi32, #tpu.memory_space<vmem>>, vector<2048x2xi32>,
    %iota3A_168 = tpu.iota {dimensions = array<i32: 0>} : vector<96x64xi32>
    %mul3A_169 = arith.constant 128 : i32
    %mul3A_170 = vector.broadcast %mul3A_169 : i32 to vector<96x64xi32>
    %mul3A_171 = arith.muli %iota3A_168, %mul3A_170 : vector<96x64xi32>
    %ge3A = vector.broadcast %add3A_154 : vector<1x64xi32> to vector<96x64xi32>
    %ge3A_172 = arith.cmpi sge, %mul3A_171, %ge3A : vector<96x64xi32>
    %convert_element_type3A_173 = arith.extui %ge3A_172 : vector<96x64xi1> to vector<96x64xi32>
    %reduce_sum3A_174 = arith.constant dense<0> : vector<96xi32>
    %reduce_sum3A_175 = vector.multi_reduction <add>, %convert_element_type3A_173, %reduce_sum3A_174 [1] : vector<96x64xi32> to vector<96xi32>
    %broadcast_in_dim3A_176 = vector.shape_cast %reduce_sum3A_175 : vector<96xi32> to vector<96x1xi32>
    %min3A = arith.constant 63 : i32
    %min3A_177 = vector.broadcast %min3A : i32 to vector<96x1xi32>
    %min3A_178 = arith.minsi %broadcast_in_dim3A_176, %min3A_177 : vector<96x1xi32>
    %swap3A_179 = arith.constant 0 : index
    %swap3A_180 = arith.constant 0 : index
    %swap3A_181 = vector.load %arg4[%swap3A_179, %swap3A_180] : memref<96x1xi32, #tpu.memory_space<vmem>>, vector<96x1xi32>
    tpu.vector_store %arg4[%swap3A_179, %swap3A_180], %min3A_178 {strides = array<i32>} : memref<96x1xi32, #tpu.memory_space<vmem>>, vector<96x1xi32>,
    return
  }
}

module attributes {stable_mosaic.version = 14 : i64} {
  func.func @_expert_kernel(%arg0: i32, %arg1: memref<96xi32, #tpu.memory_space<smem>>, %arg2: memref<128x1024xf32, #tpu.memory_space<vmem>>, %arg3: memref<1x1024x1024xf32, #tpu.memory_space<vmem>>, %arg4: memref<1x512x1024xf32, #tpu.memory_space<vmem>>, %arg5: memref<128x1024xf32, #tpu.memory_space<vmem>>) attributes {dimension_semantics = [#tpu.dimension_semantics<arbitrary>], iteration_bounds = array<i64: 96>, scalar_prefetch = 1 : i64, scratch_operands = 0 : i64, tpu.core_type = #tpu.core_type<tc>, window_params = [{transform_indices = @transform_0, window_bounds = array<i64: 128, 1024>}, {transform_indices = @transform_1, window_bounds = array<i64: 1, 1024, 1024>}, {transform_indices = @transform_2, window_bounds = array<i64: 1, 512, 1024>}, {transform_indices = @transform_3, window_bounds = array<i64: 128, 1024>}]} {
    %get3A = arith.constant 0 : index
    %get3A_0 = arith.constant 0 : index
    %get3A_1 = vector.load %arg2[%get3A, %get3A_0] : memref<128x1024xf32, #tpu.memory_space<vmem>>, vector<128x1024xf32>
    %convert_element_type3A = arith.truncf %get3A_1 : vector<128x1024xf32> to vector<128x1024xbf16>
    %get3A_2 = arith.constant 0 : index
    %get3A_3 = arith.constant 0 : index
    %get3A_4 = arith.constant 0 : index
    %get3A_5 = vector.load %arg3[%get3A_2, %get3A_3, %get3A_4] : memref<1x1024x1024xf32, #tpu.memory_space<vmem>>, vector<1x1024x1024xf32>
    %get3A_6 = vector.shape_cast %get3A_5 : vector<1x1024x1024xf32> to vector<1024x1024xf32>
    %convert_element_type3A_7 = arith.truncf %get3A_6 : vector<1024x1024xf32> to vector<1024x1024xbf16>
    %dot_general3A = arith.constant dense<0.000000e+00> : vector<128x1024xf32>
    %dot_general3A_8 = tpu.matmul %convert_element_type3A, %convert_element_type3A_7, %dot_general3A {dimension_numbers = #tpu.dot_dimension_numbers<[1], [0], [0], [1], [0, 0, 1, 1], [], []>, transpose_lhs_hint = false} : vector<128x1024xbf16>, vector<1024x1024xbf16>, vector<128x1024xf32> -> vector<128x1024xf32>
    %slice3A = vector.extract_strided_slice %dot_general3A_8 {offsets = [0, 0], sizes = [128, 512], strides = [1, 1]} : vector<128x1024xf32> to vector<128x512xf32>
    %slice3A_9 = vector.extract_strided_slice %dot_general3A_8 {offsets = [0, 512], sizes = [128, 512], strides = [1, 1]} : vector<128x1024xf32> to vector<128x512xf32>
    %logistic3A = arith.negf %slice3A : vector<128x512xf32>
    %logistic3A_10 = math.exp %logistic3A : vector<128x512xf32>
    %logistic3A_11 = arith.constant 1.000000e+00 : f32
    %logistic3A_12 = vector.broadcast %logistic3A_11 : f32 to vector<128x512xf32>
    %logistic3A_13 = arith.addf %logistic3A_12, %logistic3A_10 : vector<128x512xf32>
    %logistic3A_14 = arith.divf %logistic3A_12, %logistic3A_13 : vector<128x512xf32>
    %mul3A = arith.mulf %slice3A, %logistic3A_14 : vector<128x512xf32>
    %mul3A_15 = arith.mulf %mul3A, %slice3A_9 : vector<128x512xf32>
    %convert_element_type3A_16 = arith.truncf %mul3A_15 : vector<128x512xf32> to vector<128x512xbf16>
    %get3A_17 = arith.constant 0 : index
    %get3A_18 = arith.constant 0 : index
    %get3A_19 = arith.constant 0 : index
    %get3A_20 = vector.load %arg4[%get3A_17, %get3A_18, %get3A_19] : memref<1x512x1024xf32, #tpu.memory_space<vmem>>, vector<1x512x1024xf32>
    %get3A_21 = vector.shape_cast %get3A_20 : vector<1x512x1024xf32> to vector<512x1024xf32>
    %convert_element_type3A_22 = arith.truncf %get3A_21 : vector<512x1024xf32> to vector<512x1024xbf16>
    %dot_general3A_23 = arith.constant dense<0.000000e+00> : vector<128x1024xf32>
    %dot_general3A_24 = tpu.matmul %convert_element_type3A_16, %convert_element_type3A_22, %dot_general3A_23 {dimension_numbers = #tpu.dot_dimension_numbers<[1], [0], [0], [1], [0, 0, 1, 1], [], []>, transpose_lhs_hint = false} : vector<128x512xbf16>, vector<512x1024xbf16>, vector<128x1024xf32> -> vector<128x1024xf32>
    %swap3A = arith.constant 0 : index
    %swap3A_25 = arith.constant 0 : index
    %swap3A_26 = vector.load %arg5[%swap3A, %swap3A_25] : memref<128x1024xf32, #tpu.memory_space<vmem>>, vector<128x1024xf32>
    tpu.vector_store %arg5[%swap3A, %swap3A_25], %dot_general3A_24 {strides = array<i32>} : memref<128x1024xf32, #tpu.memory_space<vmem>>, vector<128x1024xf32>,
    return
  }
  func.func @transform_0(%arg0: i32, %arg1: memref<96xi32, #tpu.memory_space<smem>>) -> (i32, i32) {
    %c0_i32 = arith.constant 0 : i32
    %c0_i32_0 = arith.constant 0 : i32
    return %arg0, %c0_i32 : i32, i32
  }
  func.func @transform_1(%arg0: i32, %arg1: memref<96xi32, #tpu.memory_space<smem>>) -> (i32, i32, i32) {
    %get3A = arith.index_cast %arg0 : i32 to index
    %get3A_0 = memref.load %arg1[%get3A] : memref<96xi32, #tpu.memory_space<smem>>
    %c0_i32 = arith.constant 0 : i32
    %c0_i32_1 = arith.constant 0 : i32
    %c0_i32_2 = arith.constant 0 : i32
    return %get3A_0, %c0_i32, %c0_i32_1 : i32, i32, i32
  }
  func.func @transform_2(%arg0: i32, %arg1: memref<96xi32, #tpu.memory_space<smem>>) -> (i32, i32, i32) {
    %get3A = arith.index_cast %arg0 : i32 to index
    %get3A_0 = memref.load %arg1[%get3A] : memref<96xi32, #tpu.memory_space<smem>>
    %c0_i32 = arith.constant 0 : i32
    %c0_i32_1 = arith.constant 0 : i32
    %c0_i32_2 = arith.constant 0 : i32
    return %get3A_0, %c0_i32, %c0_i32_1 : i32, i32, i32
  }
  func.func @transform_3(%arg0: i32, %arg1: memref<96xi32, #tpu.memory_space<smem>>) -> (i32, i32) {
    %c0_i32 = arith.constant 0 : i32
    %c0_i32_0 = arith.constant 0 : i32
    return %arg0, %c0_i32 : i32, i32
  }
}

module attributes {stable_mosaic.version = 14 : i64} {
  func.func @_shared_kernel(%arg0: i32, %arg1: memref<128x1024xf32, #tpu.memory_space<vmem>>, %arg2: memref<1024x1024xbf16, #tpu.memory_space<vmem>>, %arg3: memref<512x1024xbf16, #tpu.memory_space<vmem>>, %arg4: memref<128x1024xf32, #tpu.memory_space<vmem>>) attributes {dimension_semantics = [#tpu.dimension_semantics<arbitrary>], iteration_bounds = array<i64: 16>, scalar_prefetch = 0 : i64, scratch_operands = 0 : i64, tpu.core_type = #tpu.core_type<tc>, window_params = [{transform_indices = @transform_0, window_bounds = array<i64: 128, 1024>}, {pipeline_mode = #tpu.pipeline_mode<synchronous>, transform_indices = @transform_1, window_bounds = array<i64: 1024, 1024>}, {pipeline_mode = #tpu.pipeline_mode<synchronous>, transform_indices = @transform_2, window_bounds = array<i64: 512, 1024>}, {transform_indices = @transform_3, window_bounds = array<i64: 128, 1024>}]} {
    %get3A = arith.constant 0 : index
    %get3A_0 = arith.constant 0 : index
    %get3A_1 = vector.load %arg1[%get3A, %get3A_0] : memref<128x1024xf32, #tpu.memory_space<vmem>>, vector<128x1024xf32>
    %convert_element_type3A = arith.truncf %get3A_1 : vector<128x1024xf32> to vector<128x1024xbf16>
    %get3A_2 = arith.constant 0 : index
    %get3A_3 = arith.constant 0 : index
    %get3A_4 = vector.load %arg2[%get3A_2, %get3A_3] : memref<1024x1024xbf16, #tpu.memory_space<vmem>>, vector<1024x1024xbf16>
    %dot_general3A = arith.constant dense<0.000000e+00> : vector<128x1024xf32>
    %dot_general3A_5 = tpu.matmul %convert_element_type3A, %get3A_4, %dot_general3A {dimension_numbers = #tpu.dot_dimension_numbers<[1], [0], [0], [1], [0, 0, 1, 1], [], []>, transpose_lhs_hint = false} : vector<128x1024xbf16>, vector<1024x1024xbf16>, vector<128x1024xf32> -> vector<128x1024xf32>
    %slice3A = vector.extract_strided_slice %dot_general3A_5 {offsets = [0, 0], sizes = [128, 512], strides = [1, 1]} : vector<128x1024xf32> to vector<128x512xf32>
    %slice3A_6 = vector.extract_strided_slice %dot_general3A_5 {offsets = [0, 512], sizes = [128, 512], strides = [1, 1]} : vector<128x1024xf32> to vector<128x512xf32>
    %logistic3A = arith.negf %slice3A : vector<128x512xf32>
    %logistic3A_7 = math.exp %logistic3A : vector<128x512xf32>
    %logistic3A_8 = arith.constant 1.000000e+00 : f32
    %logistic3A_9 = vector.broadcast %logistic3A_8 : f32 to vector<128x512xf32>
    %logistic3A_10 = arith.addf %logistic3A_9, %logistic3A_7 : vector<128x512xf32>
    %logistic3A_11 = arith.divf %logistic3A_9, %logistic3A_10 : vector<128x512xf32>
    %mul3A = arith.mulf %slice3A, %logistic3A_11 : vector<128x512xf32>
    %mul3A_12 = arith.mulf %mul3A, %slice3A_6 : vector<128x512xf32>
    %convert_element_type3A_13 = arith.truncf %mul3A_12 : vector<128x512xf32> to vector<128x512xbf16>
    %get3A_14 = arith.constant 0 : index
    %get3A_15 = arith.constant 0 : index
    %get3A_16 = vector.load %arg3[%get3A_14, %get3A_15] : memref<512x1024xbf16, #tpu.memory_space<vmem>>, vector<512x1024xbf16>
    %dot_general3A_17 = arith.constant dense<0.000000e+00> : vector<128x1024xf32>
    %dot_general3A_18 = tpu.matmul %convert_element_type3A_13, %get3A_16, %dot_general3A_17 {dimension_numbers = #tpu.dot_dimension_numbers<[1], [0], [0], [1], [0, 0, 1, 1], [], []>, transpose_lhs_hint = false} : vector<128x512xbf16>, vector<512x1024xbf16>, vector<128x1024xf32> -> vector<128x1024xf32>
    %swap3A = arith.constant 0 : index
    %swap3A_19 = arith.constant 0 : index
    %swap3A_20 = vector.load %arg4[%swap3A, %swap3A_19] : memref<128x1024xf32, #tpu.memory_space<vmem>>, vector<128x1024xf32>
    tpu.vector_store %arg4[%swap3A, %swap3A_19], %dot_general3A_18 {strides = array<i32>} : memref<128x1024xf32, #tpu.memory_space<vmem>>, vector<128x1024xf32>,
    return
  }
  func.func @transform_0(%arg0: i32) -> (i32, i32) {
    %c0_i32 = arith.constant 0 : i32
    %c0_i32_0 = arith.constant 0 : i32
    return %arg0, %c0_i32 : i32, i32
  }
  func.func @transform_1(%arg0: i32) -> (i32, i32) {
    %c0_i32 = arith.constant 0 : i32
    %c0_i32_0 = arith.constant 0 : i32
    %c0_i32_1 = arith.constant 0 : i32
    return %c0_i32, %c0_i32_0 : i32, i32
  }
  func.func @transform_2(%arg0: i32) -> (i32, i32) {
    %c0_i32 = arith.constant 0 : i32
    %c0_i32_0 = arith.constant 0 : i32
    %c0_i32_1 = arith.constant 0 : i32
    return %c0_i32, %c0_i32_0 : i32, i32
  }
  func.func @transform_3(%arg0: i32) -> (i32, i32) {
    %c0_i32 = arith.constant 0 : i32
    %c0_i32_0 = arith.constant 0 : i32
    return %arg0, %c0_i32 : i32, i32
  }
}

module attributes {stable_mosaic.version = 14 : i64} {
  func.func @_final_kernel(%arg0: i32, %arg1: memref<128x1024xf32, #tpu.memory_space<vmem>>, %arg2: memref<128x1024xf32, #tpu.memory_space<vmem>>, %arg3: memref<128x1024xf32, #tpu.memory_space<vmem>>, %arg4: memref<128x2xf32, #tpu.memory_space<vmem>>, %arg5: memref<128x1024xf32, #tpu.memory_space<vmem>>) attributes {dimension_semantics = [#tpu.dimension_semantics<arbitrary>], iteration_bounds = array<i64: 16>, scalar_prefetch = 0 : i64, scratch_operands = 0 : i64, tpu.core_type = #tpu.core_type<tc>, window_params = [{transform_indices = @transform_0, window_bounds = array<i64: 128, 1024>}, {transform_indices = @transform_1, window_bounds = array<i64: 128, 1024>}, {transform_indices = @transform_2, window_bounds = array<i64: 128, 1024>}, {transform_indices = @transform_3, window_bounds = array<i64: 128, 2>}, {transform_indices = @transform_4, window_bounds = array<i64: 128, 1024>}]} {
    %get3A = arith.constant 0 : index
    %get3A_0 = arith.constant 0 : index
    %get3A_1 = vector.load %arg4[%get3A, %get3A_0] : memref<128x2xf32, #tpu.memory_space<vmem>>, vector<128x1xf32>
    %get3A_2 = arith.constant 0 : index
    %get3A_3 = arith.constant 1 : index
    %get3A_4 = vector.load %arg4[%get3A_2, %get3A_3] : memref<128x2xf32, #tpu.memory_space<vmem>>, vector<128x1xf32>
    %get3A_5 = arith.constant 0 : index
    %get3A_6 = arith.constant 0 : index
    %get3A_7 = vector.load %arg1[%get3A_5, %get3A_6] : memref<128x1024xf32, #tpu.memory_space<vmem>>, vector<128x1024xf32>
    %get3A_8 = arith.constant 0 : index
    %get3A_9 = arith.constant 0 : index
    %get3A_10 = vector.load %arg2[%get3A_8, %get3A_9] : memref<128x1024xf32, #tpu.memory_space<vmem>>, vector<128x1024xf32>
    %mul3A = vector.broadcast %get3A_1 : vector<128x1xf32> to vector<128x1024xf32>
    %mul3A_11 = arith.mulf %mul3A, %get3A_10 : vector<128x1024xf32>
    %add3A = arith.addf %get3A_7, %mul3A_11 : vector<128x1024xf32>
    %get3A_12 = arith.constant 0 : index
    %get3A_13 = arith.constant 0 : index
    %get3A_14 = vector.load %arg3[%get3A_12, %get3A_13] : memref<128x1024xf32, #tpu.memory_space<vmem>>, vector<128x1024xf32>
    %mul3A_15 = vector.broadcast %get3A_4 : vector<128x1xf32> to vector<128x1024xf32>
    %mul3A_16 = arith.mulf %mul3A_15, %get3A_14 : vector<128x1024xf32>
    %add3A_17 = arith.addf %add3A, %mul3A_16 : vector<128x1024xf32>
    %swap3A = arith.constant 0 : index
    %swap3A_18 = arith.constant 0 : index
    %swap3A_19 = vector.load %arg5[%swap3A, %swap3A_18] : memref<128x1024xf32, #tpu.memory_space<vmem>>, vector<128x1024xf32>
    tpu.vector_store %arg5[%swap3A, %swap3A_18], %add3A_17 {strides = array<i32>} : memref<128x1024xf32, #tpu.memory_space<vmem>>, vector<128x1024xf32>,
    return
  }
  func.func @transform_0(%arg0: i32) -> (i32, i32) {
    %c0_i32 = arith.constant 0 : i32
    %c0_i32_0 = arith.constant 0 : i32
    return %arg0, %c0_i32 : i32, i32
  }
  func.func @transform_1(%arg0: i32) -> (i32, i32) {
    %c0_i32 = arith.constant 0 : i32
    %c0_i32_0 = arith.constant 0 : i32
    return %arg0, %c0_i32 : i32, i32
  }
  func.func @transform_2(%arg0: i32) -> (i32, i32) {
    %add3A = arith.constant 16 : i32
    %add3A_0 = arith.addi %arg0, %add3A : i32
    %c0_i32 = arith.constant 0 : i32
    %c0_i32_1 = arith.constant 0 : i32
    return %add3A_0, %c0_i32 : i32, i32
  }
  func.func @transform_3(%arg0: i32) -> (i32, i32) {
    %c0_i32 = arith.constant 0 : i32
    %c0_i32_0 = arith.constant 0 : i32
    return %arg0, %c0_i32 : i32, i32
  }
  func.func @transform_4(%arg0: i32) -> (i32, i32) {
    %c0_i32 = arith.constant 0 : i32
    %c0_i32_0 = arith.constant 0 : i32
    return %arg0, %c0_i32 : i32, i32
  }
}

</mosaic_0001>

<sc_bundles>
// kernel: kernel.11.cloned.1.call-start
scs
__scs_entry_jumppad:
0x0: {  	(pc) =	sbr.rel $0x88, $3  }
0x1: {  	(tag) =	ssettag $0x0;
	lr =	simm.s32 $0x1  }
0x2: {  	[smem:$0x3F9B] =	sst lr;
	_ =	strace $0xD0000000  }
0x3: {  	_ = 	snop  }
0x4: {  	_ = 	snop  }
0x5: {  	_ = 	snop  }
0x6: {  	_ = 	snop  }
0x7: {  	_ = 	snop  }
__scs_overlays_trampoline_lowered:
0x8: {  	[smem:$0x3FAA] =	sst s0  }
0x9: {  	[smem:$0x3FAB] =	sst s1  }
0xa: {  	[smem:$0x3FAC] =	sst s2  }
0xb: {  	[smem:$0x3FAD] =	sst s3  }
0xc: {  	[smem:$0x3FAE] =	sst s4  }
0xd: {  	[smem:$0x3FAF] =	sst s5  }
0xe: {  	[smem:$0x3FB0] =	sst s6  }
0xf: {  	[smem:$0x3FB1] =	sst s7  }
0x10: {  	[smem:$0x3FB2] =	sst s8  }
0x11: {  	[smem:$0x3FB3] =	sst s9;
	s0 =	simm.s32 @!p0 $0x0  }
0x12: {  	s1 =	sld [smem:$0x3F99];
	s0 =	simm.s32 @p0 $0x1  }
0x13: {  	[smem:$0x3FB4] =	sst s0;
	s0 =	simm.s32 @!p1 $0x0  }
0x14: {  	s2 =	sld [smem:$0x3F98];
	s0 =	simm.s32 @p1 $0x1  }
0x15: {  	[smem:$0x3FB5] =	sst s0;
	s0 =	simm.s32 @!p2 $0x0  }
0x16: {  	s3 =	sld [smem:$0x3FDB];
	s0 =	simm.s32 @p2 $0x1  }
0x17: {  	s4 =	simm.s32 $0x1BF5;
	[smem:$0x3FB7] =	sst s0  }
0x18: {  	s0 =	sld [smem:$0x3F9A];
	_ =	swait.ge [sflag:s4], $0x0  }
0x19: {  	s7 =	sld [smem:$0x3F9B]  }
0x1a: {  	s8 =	sadd.s32 $0xFFFFE003, lr  }
0x1b: {  	s9 =	sadd.s32 $0xFFFFFEF7, lr;
	s5 =	simm.s32 $0xFFFFFFFF;
	p2 =	slt.u32 s8, $0xFFFFF086  }
0x1c: {  	p1 =	slt.u32 s9, $0xF7A;
	s5 =	simm.s32 @!p2 $0x0  }
0x1d: {  	s5 =	simm.s32 @p1 $0x1;
	p0 =	seq.s32 s7, s2  }
0x1e: {  	s7 =	smul.u32 @!p0 $0xF7A, s2;
	p2 =	seq.s32 @!p0 s5, $0x0  }
0x1f: {  	s9 =	smul.u32 $0xF7A, s1;
	s8 =	simm.s32 @!p0 $0x1BF5;
	p2 =	por !p2, p0  }
0x20: {  	[sflag:s8] =	ssyncset.s32 @!p0 $0xFFFFF086;
	s6 =	sadd.s32 @!p0 s3, s7;
	s7 =	simm.s32 @!p0 $0x108  }
0x21: {  	s3 =	sadd.s32 s3, s9;
	s6 =	sadd.s32 @!p0 $0x88, s6;
	s7 =	simm.s32 @p2 $0x1082  }
0x22: {  	[simem:s7], [sflag:s8] =	dma.local @!p0 [hbm:s6], $0xF7A  }
0x23: {  	s9 =	sor.u32 $0xD0000000, s2;
	s6 =	simm.s32 $0x108;
	_ =	swait.ge @!p0 [sflag:s8], $0x0  }
0x24: {  	s3 =	sadd.s32 $0x88, s3;
	s6 =	simm.s32 @!p1 $0x1082;
	[sflag:s4] =	ssyncset.s32 $0xFFFFF086  }
0x25: {  	[simem:s6], [sflag:s4] =	dma.local [hbm:s3], $0xF7A  }
0x26: {  	[smem:$0x3F9B] =	sst s1;
	(tag) =	ssettag s2;
	_ =	strace s9  }
0x27: {  	s1 =	sld [smem:$0x3FAB]  }
0x28: {  	s2 =	sld [smem:$0x3FAC]  }
0x29: {  	s4 =	sld [smem:$0x3FAE]  }
0x2a: {  	p0 =	seq.s32 s5, $0x0;
	s5 =	sld [smem:$0x3FAF]  }
0x2b: {  	s6 =	sld [smem:$0x3FB0]  }
0x2c: {  	s7 =	sld [smem:$0x3FB1]  }
0x2d: {  	s3 =	simm.s32 $0x108;
	s8 =	sld [smem:$0x3FB2]  }
0x2e: {  	s3 =	simm.s32 @!p0 $0x1082;
	s9 =	sld [smem:$0x3FB3]  }
0x2f: {  	lr =	sadd.s32 s0, s3;
	s0 =	sld [smem:$0x3FAA]  }
0x30: {  	s3 =	sld [smem:$0x3FAD]  }
0x31: {  	[smem:$0x3FB6] =	sst s10  }
0x32: {  	s10 =	sld [smem:$0x3FB4];
	_ =	sdelay $0x3  }
0x33: {  	p0 =	seq.s32 s10, $0x1;
	s10 =	sld [smem:$0x3FB6];
	_ =	sdelay $0x3  }
0x34: {  	[smem:$0x3FB6] =	sst s10  }
0x35: {  	s10 =	sld [smem:$0x3FB5];
	_ =	sdelay $0x3  }
0x36: {  	p1 =	seq.s32 s10, $0x1;
	s10 =	sld [smem:$0x3FB6];
	_ =	sdelay $0x3  }
0x37: {  	[smem:$0x3FB6] =	sst s10  }
0x38: {  	s10 =	sld [smem:$0x3FB7]  }
0x39: {  	_ = 	snop;
	(pc) =	sbr.ind lr, $3  }
0x3a: {  	_ = 	snop  }
0x3b: {  	_ = 	snop  }
0x3c: {  	p2 =	seq.s32 s10, $0x1;
	s10 =	sld [smem:$0x3FB6]  }
0x3d: {  	_ =	shalt  }
0x3e: {  	_ =	shalt  }
0x3f: {  	_ =	shalt  }
0x40: {  	_ =	shalt  }
0x41: {  	_ =	shalt  }
0x42: {  	_ =	shalt  }
0x43: {  	_ =	shalt  }
0x44: {  	_ =	shalt  }
0x45: {  	_ =	shalt  }
0x46: {  	_ =	shalt  }
0x47: {  	_ =	shalt  }
0x48: {  	_ =	shalt  }
0x49: {  	_ =	shalt  }
0x4a: {  	_ =	shalt  }
0x4b: {  	_ =	shalt  }
0x4c: {  	_ =	shalt  }
0x4d: {  	_ =	shalt  }
0x4e: {  	_ =	shalt  }
0x4f: {  	_ =	shalt  }
0x50: {  	_ =	shalt  }
0x51: {  	_ =	shalt  }
0x52: {  	_ =	shalt  }
0x53: {  	_ =	shalt  }
0x54: {  	_ =	shalt  }
0x55: {  	_ =	shalt  }
0x56: {  	_ =	shalt  }
0x57: {  	_ =	shalt  }
0x58: {  	_ =	shalt  }
0x59: {  	_ =	shalt  }
0x5a: {  	_ =	shalt  }
0x5b: {  	_ =	shalt  }
0x5c: {  	_ =	shalt  }
0x5d: {  	_ =	shalt  }
0x5e: {  	_ =	shalt  }
0x5f: {  	_ =	shalt  }
0x60: {  	_ =	shalt  }
0x61: {  	_ =	shalt  }
0x62: {  	_ =	shalt  }
0x63: {  	_ =	shalt  }
0x64: {  	_ =	shalt  }
0x65: {  	_ =	shalt  }
0x66: {  	_ =	shalt  }
0x67: {  	_ =	shalt  }
0x68: {  	_ =	shalt  }
0x69: {  	_ =	shalt  }
0x6a: {  	_ =	shalt  }
0x6b: {  	_ =	shalt  }
0x6c: {  	_ =	shalt  }
0x6d: {  	_ =	shalt  }
0x6e: {  	_ =	shalt  }
0x6f: {  	_ =	shalt  }
0x70: {  	_ =	shalt  }
0x71: {  	_ =	shalt  }
0x72: {  	_ =	shalt  }
0x73: {  	_ =	shalt  }
0x74: {  	_ =	shalt  }
0x75: {  	_ =	shalt  }
0x76: {  	_ =	shalt  }
0x77: {  	_ =	shalt  }
0x78: {  	_ =	shalt  }
0x79: {  	_ =	shalt  }
0x7a: {  	_ =	shalt  }
0x7b: {  	_ =	shalt  }
0x7c: {  	_ =	shalt  }
0x7d: {  	_ =	shalt  }
0x7e: {  	_ =	shalt  }
0x7f: {  	_ =	shalt  }
0x80: {  	_ =	shalt  }
0x81: {  	_ =	shalt  }
0x82: {  	_ =	shalt  }
0x83: {  	_ =	shalt  }
0x84: {  	_ =	shalt  }
0x85: {  	_ =	shalt  }
0x86: {  	_ =	shalt  }
0x87: {  	_ =	shalt  }
.Lfunc_end0:
.L_simem_size_0:
called_computation.1_lowered:
.L_overlay_start_0:
0x88: {  	s2 =	sld [smem:$0x3FD9]  }
0x89: {  	s3 =	sld [smem:$0x3FFE];
	_ =	sdelay $0x1  }
0x8a: {  	s1 =	srdreg.scid  }
0x8b: {  	s0 =	sand.u32 $0x1, s1  }
0x8c: {  	s16 =	sshll.u32 s0, $0xA;
	s2 =	sadd.s32 s3, s2  }
0x8d: {  	s2 =	sadd.s32 s2, s16  }
0x8e: {  	[smem:$0x3FC2] =	sst s2  }
0x8f: {  	_ = 	snop  }
0x90: {  	(tm) =	ssettm $0x1  }
0x91: {  	s17 =	sld [smem:$0x3FFB];
	_ =	sdelay $0x3  }
0x92: {  	_ =	strace s17  }
0x93: {  	s2 =	sld [smem:$0x3FFC];
	_ =	sdelay $0x3  }
0x94: {  	_ =	strace s2  }
0x95: {  	s2 =	sld [smem:$0x3FFD];
	_ =	sdelay $0x3  }
0x96: {  	_ =	strace s2  }
0x97: {  	_ =	strace $0x8FFFFFFF  }
0x98: {  	s18 =	sld [smem:$0x3FDB];
	_ =	sdelay $0x1  }
0x99: {  	s19 =	simm.s32 $_scs_section_size  }
0x9a: {  	s4 =	simm.s32 $_size__tile_overlayer_lowered;
	s5 =	simm.s32 $_tile_overlayer_lowered  }
0x9b: {  	s22 =	simm.s32 $0x1BFF;
	s21 =	sshll.u32 s5, $0x1;
	s2 =	sadd.s32 s19, s18  }
0x9c: {  	s6 =	simm.s32 $0x0;
	s20 =	sshll.u32 s4, $0x1;
	s4 =	sadd.s32 s21, s2  }
0x9d: {  	[timem:s6], [sflag:s22] =	dma.local [hbm:s4], s20  }
0x9e: {  	_ =	swait.ge [sflag:s22], s20  }
0x9f: {  	s3 =	ssub.s32 $0x0, s20;
	[sflag:s22] =	ssyncset.done $0x0  }
0xa0: {  	[sflag:s22] =	ssyncadd.s32 s3;
	_ =	sdelay $0x1  }
0xa1: {  	s23 =	simm.s32 $0x1B8B  }
0xa2: {  	_ =	swait.ge [sflag:s23], $0x1  }
0xa3: {  	[sflag:s23] =	ssyncset.done $0x0  }
0xa4: {  	s25 =	simm.s32 $0x1B8E;
	s24 =	sld [smem:$0x3FFE];
	[sflag:s23] =	ssyncadd.s32 $0xFFFFFFFF  }
0xa5: {  	s26 =	simm.s32 $execute0_lowered;
	[smem:$0x3FD2] =	sst s25  }
0xa6: {  	s4 =	sshll.u32 s26, $0x1;
	_ =	strace $0x80000049;
	[dreg:$0x1] =	wrdreg $0xFFFFFFFF  }
0xa7: {  	s28 =	simm.s32 $_size_execute0_lowered;
	s2 =	sadd.s32 s2, s4;
	[dreg:$0x0] =	wrdreg $0x0  }
0xa8: {  	s4 =	sshll.u32 s28, $0x1;
	[dreg:$0x2] =	wrdreg s2  }
0xa9: {  	[dreg:$0x3] =	wrdreg s4  }
0xaa: {  	[dreg:$0x4] =	wrdreg $0xC0  }
0xab: {  	_ =	task [dreg:s6], $0x5FFFF  }
0xac: {  	[dreg:$0x1] =	wrdreg $0xFFFFFFFF  }
0xad: {  	[dreg:$0x0] =	wrdreg $0x60  }
0xae: {  	[dreg:$0x2] =	wrdreg s24  }
0xaf: {  	[dreg:$0x3] =	wrdreg $0x9  }
0xb0: {  	_ =	task.clear_ibuf [dreg:s6], $0x4FFFF;
	_ =	strace $0x90000049  }
0xb1: {  	s29 =	simm.s32 $0x9;
	_ =	strace $0x8000004B  }
0xb2: {  	_ =	swait.ge [sflag:s29], $0x1  }
0xb3: {  	[sflag:s29] =	ssyncadd.s32 $0xFFFFFFFF  }
0xb4: {  	_ =	strace $0x9000004B  }
0xb5: {  	_ =	sfence  }
0xb6: {  	s30 =	sld [smem:$0x0];
	_ =	sdelay $0x2  }
0xb7: {  	s31 =	sshll.u32 s1, $0xD;
	s1 =	sshrl.u32 s1, $0x2  }
0xb8: {  	s3 =	sand.u32 $0x4000, s31;
	s1 =	sadd.s32 s1, s30  }
0xb9: {  	s0 =	sor.u32 s3, s0;
	s1 =	sshll.u32 s1, $0x11  }
0xba: {  	s0 =	sor.u32 s1, s0  }
0xbb: {  	s0 =	sadd.s32 $0x8F2B, s0  }
0xbc: {  	[sflag:s0] =	ssyncadd.remote.s32 $0x1  }
0xbd: {  	_ =	sfence.sel $0xFFFF  }
0xbe: {  	[dreg:$0x0] =	wrdreg $0xFFFFFFFF;
	(pc) =	sbr.abs _section_cstart, $3  }
0xbf: {  	[dreg:$0x1] =	wrdreg $0xFFFFFFFF  }
0xc0: {  	_ =	task.clear_ibuf [dreg:s6], $0x2FFFF;
	_ =	strace $0x9FFFFFFF  }
0xc1: {  	(tm) =	ssettm $0x7FFFFFFF  }
tec
execute0_lowered:
.L_overlay_start_1:
0x0: {  	(tag) =	ssettag $0x1  }
0x1: {  	s0 =	rddreg [dreg:$0x0];
	s1 =	srdreg.scid  }
0x2: {  	s2 =	simm.s32 $0x0;
	s3 =	stileid.u32;
	s18 =	simm.s32 $0x1  }
0x3: {  	s20 =	simm.s32 $0x880;
	s21 =	simm.s32 $0x1080;
	s22 =	simm.s32 $0x1880  }
0x4: {  	s23 =	simm.s32 $0x2080;
	s28 =	simm.s32 $0x4080;
	s29 =	simm.s32 $0x4880  }
0x5: {  	s30 =	simm.s32 $0x5080;
	s31 =	simm.s32 $0x5880;
	s11 =	simm.s32 $0x7880  }
0x6: {  	s12 =	simm.s32 $0x8080;
	s13 =	simm.s32 $0x8880;
	s14 =	simm.s32 $0x9080  }
0x7: {  	s15 =	simm.s32 $0x9880;
	s16 =	simm.s32 $0xA080;
	s17 =	simm.s32 $0xA880  }
0x8: {  	s1 =	sand.u32 $0x1, s1;
	[smem:$0x7FF] =	sst s2;
	s3 =	sshll.u32 s3, $0x8  }
0x9: {  	s6 =	sadd.s32 $0x1400, s0;
	s8 =	sadd.s32 $0x1600, s0;
	s4 =	sshll.u32 s1, $0x7  }
0xa: {  	_ =	strace $0x8000004A;
	s1 =	ssub.s32 $0x2, s1;
	s5 =	sor.u32 s4, s3  }
0xb: {  	s3 =	sadd.s32 $0x181600, s0;
	s7 =	sshrl.u32 s1, $0x1;
	s4 =	sshrl.u32 s5, $0x3  }
0xc: {  	s1 =	ssub.s32 s1, s7;
	s24 =	sshll.u32 s5, $0x7;
	s9 =	sor.u32 $0x40, s5  }
0xd: {  	s5 =	sadd.s32 $0x181800, s0;
	s4 =	sadd.s32 s6, s4;
	s7 =	sadd.s32 s8, s24  }
0xe: {  	s10 =	sshrl.u32 s9, $0x3;
	s9 =	sshll.u32 s9, $0x7;
	[dreg:$0x2] =	wrdreg s4  }
0xf: {  	s24 =	simm.s32 $0x2880;
	s4 =	sadd.s32 $0x181700, s0;
	[dreg:$0x3] =	wrdreg s7  }
0x10: {  	s25 =	sadd.s32 s6, s10;
	s6 =	sadd.s32 $0x181900, s0;
	s26 =	sadd.s32 s8, s9  }
0x11: {  	v2 =	vlaneseq.u32;
	s7 =	smax.u32 s1, $0x1;
	s8 =	simm.s32 $0x2;
	s0 =	simm.s32 $0x80  }
0x12: {  	vm0 =	vmmov $0xffff;
	v1 =	vshrl.u32 v2, $0x3;
	s10 =	simm.s32 $0x7080;
	s9 =	simm.s32 $0xB080;
	[dreg:$0x4] =	wrdreg s25  }
0x13: {  	v0 =	vand.u32 $0x7, v2;
	v2 =	vor.u32 $0x8, v2;
	v1 =	vmul.u32 $0x8, v1;
	[dreg:$0x5] =	wrdreg s26;
	s25 =	simm.s32 $0x3080;
	s26 =	simm.s32 $0x3880  }
.LBB2_1:
0x14: {  	s19 =	rddreg [dreg:$0x2]  }
0x15: {  	[tilespmem:s2], [sflag:$0x2] =	stream.linear.gather [hbm4b:s19+s2], $0x40, $0x38;
	[tilespmem:$0x10080] =	vst v63  }
0x16: {  	_ =	swait.ge [sflag:s8], $0x40  }
0x17: {  	[sflag:s8] =	ssyncset.done $0x0  }
0x18: {  	[sflag:s8] =	ssyncadd.s32 $0xFFFFFFC0  }
0x19: {  	v3 =	vld [tilespmem:$0x0];
	_ =	sdelay $0x4  }
0x1a: {  	v4 =	vshll.u32 v3, $0x3  }
0x1b: {  	v3 =	vand.u32 $0x7, v3;
	v4 =	vand.u32 $0xFFFFFFC0, v4  }
0x1c: {  	v3 =	vor.u32 v3, v4  }
0x1d: {  	v4 =	vperm.xlane v3, v0;
	_ =	sdelay $0x1  }
0x1e: {  	v4 =	vadd.s32 v1, v4;
	_ =	sdelay $0x4  }
0x1f: {  	[tilespmem:s0], [sflag:$0x1] =	stream.indirect_vreg.gather [hbm4b:s3+s2], $0x80, v4, vm0, $0xb8;
	[tilespmem:$0x10080] =	vst v63  }
0x20: {  	v3 =	vperm.xlane v3, v2  }
0x21: {  	[tilespmem:s20], [sflag:$0x1] =	stream.indirect_vreg.gather [hbm4b:s4+s2], $0x80, v4, vm0, $0xb8;
	[tilespmem:$0x10080] =	vst v63  }
0x22: {  	v3 =	vadd.s32 v1, v3  }
0x23: {  	[tilespmem:s21], [sflag:$0x1] =	stream.indirect_vreg.gather [hbm4b:s5+s2], $0x80, v4, vm0, $0xb8;
	[tilespmem:$0x10080] =	vst v63  }
0x24: {  	_ = 	snop  }
0x25: {  	[tilespmem:s22], [sflag:$0x1] =	stream.indirect_vreg.gather [hbm4b:s6+s2], $0x80, v4, vm0, $0xb8;
	[tilespmem:$0x10080] =	vst v63  }
0x26: {  	_ = 	snop  }
0x27: {  	[tilespmem:s23], [sflag:$0x1] =	stream.indirect_vreg.gather [hbm4b:s3+s2], $0x80, v3, vm0, $0xb8;
	[tilespmem:$0x10080] =	vst v63  }
0x28: {  	_ = 	snop  }
0x29: {  	[tilespmem:s24], [sflag:$0x1] =	stream.indirect_vreg.gather [hbm4b:s4+s2], $0x80, v3, vm0, $0xb8;
	[tilespmem:$0x10080] =	vst v63  }
0x2a: {  	_ = 	snop  }
0x2b: {  	[tilespmem:s25], [sflag:$0x1] =	stream.indirect_vreg.gather [hbm4b:s5+s2], $0x80, v3, vm0, $0xb8;
	[tilespmem:$0x10080] =	vst v63  }
0x2c: {  	_ = 	snop  }
0x2d: {  	[tilespmem:s26], [sflag:$0x1] =	stream.indirect_vreg.gather [hbm4b:s6+s2], $0x80, v3, vm0, $0xb8;
	[tilespmem:$0x10080] =	vst v63  }
0x2e: {  	v3 =	vld [tilespmem:$0x10];
	_ =	sdelay $0x4  }
0x2f: {  	v57 =	vshll.u32 v3, $0x3  }
0x30: {  	v3 =	vand.u32 $0x7, v3;
	v4 =	vand.u32 $0xFFFFFFC0, v57  }
0x31: {  	v3 =	vor.u32 v3, v4  }
0x32: {  	v4 =	vperm.xlane v3, v0;
	_ =	sdelay $0x1  }
0x33: {  	v4 =	vadd.s32 v1, v4;
	_ =	sdelay $0x4  }
0x34: {  	[tilespmem:s28], [sflag:$0x1] =	stream.indirect_vreg.gather [hbm4b:s3+s2], $0x80, v4, vm0, $0xb8;
	[tilespmem:$0x10080] =	vst v63  }
0x35: {  	v3 =	vperm.xlane v3, v2  }
0x36: {  	[tilespmem:s29], [sflag:$0x1] =	stream.indirect_vreg.gather [hbm4b:s4+s2], $0x80, v4, vm0, $0xb8;
	[tilespmem:$0x10080] =	vst v63  }
0x37: {  	v3 =	vadd.s32 v1, v3  }
0x38: {  	[tilespmem:s30], [sflag:$0x1] =	stream.indirect_vreg.gather [hbm4b:s5+s2], $0x80, v4, vm0, $0xb8;
	[tilespmem:$0x10080] =	vst v63  }
0x39: {  	_ = 	snop  }
0x3a: {  	[tilespmem:s31], [sflag:$0x1] =	stream.indirect_vreg.gather [hbm4b:s6+s2], $0x80, v4, vm0, $0xb8;
	[tilespmem:$0x10080] =	vst v63  }
0x3b: {  	s1 =	simm.s32 $0x6080  }
0x3c: {  	[tilespmem:s1], [sflag:$0x1] =	stream.indirect_vreg.gather [hbm4b:s3+s2], $0x80, v3, vm0, $0xb8;
	[tilespmem:$0x10080] =	vst v63  }
0x3d: {  	s1 =	simm.s32 $0x6880  }
0x3e: {  	[tilespmem:s1], [sflag:$0x1] =	stream.indirect_vreg.gather [hbm4b:s4+s2], $0x80, v3, vm0, $0xb8;
	[tilespmem:$0x10080] =	vst v63  }
0x3f: {  	_ = 	snop  }
0x40: {  	[tilespmem:s10], [sflag:$0x1] =	stream.indirect_vreg.gather [hbm4b:s5+s2], $0x80, v3, vm0, $0xb8;
	[tilespmem:$0x10080] =	vst v63  }
0x41: {  	_ = 	snop  }
0x42: {  	[tilespmem:s11], [sflag:$0x1] =	stream.indirect_vreg.gather [hbm4b:s6+s2], $0x80, v3, vm0, $0xb8;
	[tilespmem:$0x10080] =	vst v63  }
0x43: {  	v3 =	vld [tilespmem:$0x20];
	_ =	sdelay $0x4  }
0x44: {  	v58 =	vshll.u32 v3, $0x3  }
0x45: {  	v3 =	vand.u32 $0x7, v3;
	v4 =	vand.u32 $0xFFFFFFC0, v58  }
0x46: {  	v3 =	vor.u32 v3, v4  }
0x47: {  	v4 =	vperm.xlane v3, v0;
	_ =	sdelay $0x1  }
0x48: {  	v4 =	vadd.s32 v1, v4;
	_ =	sdelay $0x4  }
0x49: {  	[tilespmem:s12], [sflag:$0x1] =	stream.indirect_vreg.gather [hbm4b:s3+s2], $0x80, v4, vm0, $0xb8;
	[tilespmem:$0x10080] =	vst v63  }
0x4a: {  	v3 =	vperm.xlane v3, v2  }
0x4b: {  	[tilespmem:s13], [sflag:$0x1] =	stream.indirect_vreg.gather [hbm4b:s4+s2], $0x80, v4, vm0, $0xb8;
	[tilespmem:$0x10080] =	vst v63  }
0x4c: {  	v3 =	vadd.s32 v1, v3  }
0x4d: {  	[tilespmem:s14], [sflag:$0x1] =	stream.indirect_vreg.gather [hbm4b:s5+s2], $0x80, v4, vm0, $0xb8;
	[tilespmem:$0x10080] =	vst v63  }
0x4e: {  	_ = 	snop  }
0x4f: {  	[tilespmem:s15], [sflag:$0x1] =	stream.indirect_vreg.gather [hbm4b:s6+s2], $0x80, v4, vm0, $0xb8;
	[tilespmem:$0x10080] =	vst v63  }
0x50: {  	_ = 	snop  }
0x51: {  	[tilespmem:s16], [sflag:$0x1] =	stream.indirect_vreg.gather [hbm4b:s3+s2], $0x80, v3, vm0, $0xb8;
	[tilespmem:$0x10080] =	vst v63  }
0x52: {  	_ = 	snop  }
0x53: {  	[tilespmem:s17], [sflag:$0x1] =	stream.indirect_vreg.gather [hbm4b:s4+s2], $0x80, v3, vm0, $0xb8;
	[tilespmem:$0x10080] =	vst v63  }
0x54: {  	_ = 	snop  }
0x55: {  	[tilespmem:s9], [sflag:$0x1] =	stream.indirect_vreg.gather [hbm4b:s5+s2], $0x80, v3, vm0, $0xb8;
	[tilespmem:$0x10080] =	vst v63  }
0x56: {  	s19 =	simm.s32 $0xB880  }
0x57: {  	[tilespmem:s19], [sflag:$0x1] =	stream.indirect_vreg.gather [hbm4b:s6+s2], $0x80, v3, vm0, $0xb8;
	[tilespmem:$0x10080] =	vst v63  }
0x58: {  	v3 =	vld [tilespmem:$0x30];
	_ =	sdelay $0x4  }
0x59: {  	v59 =	vshll.u32 v3, $0x3  }
0x5a: {  	v3 =	vand.u32 $0x7, v3;
	v4 =	vand.u32 $0xFFFFFFC0, v59  }
0x5b: {  	v3 =	vor.u32 v3, v4  }
0x5c: {  	v4 =	vperm.xlane v3, v0;
	_ =	sdelay $0x1  }
0x5d: {  	v4 =	vadd.s32 v1, v4;
	_ =	sdelay $0x3  }
0x5e: {  	s19 =	simm.s32 $0xC080  }
0x5f: {  	[tilespmem:s19], [sflag:$0x1] =	stream.indirect_vreg.gather [hbm4b:s3+s2], $0x80, v4, vm0, $0xb8;
	[tilespmem:$0x10080] =	vst v63  }
0x60: {  	v3 =	vperm.xlane v3, v2;
	s19 =	simm.s32 $0xC880  }
0x61: {  	[tilespmem:s19], [sflag:$0x1] =	stream.indirect_vreg.gather [hbm4b:s4+s2], $0x80, v4, vm0, $0xb8;
	[tilespmem:$0x10080] =	vst v63  }
0x62: {  	v3 =	vadd.s32 v1, v3;
	s19 =	simm.s32 $0xD080  }
0x63: {  	[tilespmem:s19], [sflag:$0x1] =	stream.indirect_vreg.gather [hbm4b:s5+s2], $0x80, v4, vm0, $0xb8;
	[tilespmem:$0x10080] =	vst v63  }
0x64: {  	s19 =	simm.s32 $0xD880  }
0x65: {  	[tilespmem:s19], [sflag:$0x1] =	stream.indirect_vreg.gather [hbm4b:s6+s2], $0x80, v4, vm0, $0xb8;
	[tilespmem:$0x10080] =	vst v63  }
0x66: {  	s19 =	simm.s32 $0xE080  }
0x67: {  	[tilespmem:s19], [sflag:$0x1] =	stream.indirect_vreg.gather [hbm4b:s3+s2], $0x80, v3, vm0, $0xb8;
	[tilespmem:$0x10080] =	vst v63  }
0x68: {  	s19 =	simm.s32 $0xE880  }
0x69: {  	[tilespmem:s19], [sflag:$0x1] =	stream.indirect_vreg.gather [hbm4b:s4+s2], $0x80, v3, vm0, $0xb8;
	[tilespmem:$0x10080] =	vst v63  }
0x6a: {  	s19 =	simm.s32 $0xF080  }
0x6b: {  	[tilespmem:s19], [sflag:$0x1] =	stream.indirect_vreg.gather [hbm4b:s5+s2], $0x80, v3, vm0, $0xb8;
	[tilespmem:$0x10080] =	vst v63  }
0x6c: {  	s19 =	simm.s32 $0xF880  }
0x6d: {  	[tilespmem:s19], [sflag:$0x1] =	stream.indirect_vreg.gather [hbm4b:s6+s2], $0x80, v3, vm0, $0xb8;
	[tilespmem:$0x10080] =	vst v63  }
0x6e: {  	_ =	swait.ge [sflag:s18], $0x10000  }
0x6f: {  	[sflag:s18] =	ssyncset.done $0x0  }
0x70: {  	s19 =	rddreg [dreg:$0x3];
	[sflag:s18] =	ssyncadd.s32 $0xFFFF0000  }
0x71: {  	[hbm4b:s19+s2] =	stream.linear.scatter [tilespmem:s0], [sflag:$0x2], $0x10000, $0x38;
	[tilespmem:$0x10080] =	vst v63  }
0x72: {  	_ =	swait.ge [sflag:s8], $0x10000  }
0x73: {  	[sflag:s8] =	ssyncset.done $0x0  }
0x74: {  	s19 =	rddreg [dreg:$0x4];
	[sflag:s8] =	ssyncadd.s32 $0xFFFF0000  }
0x75: {  	[tilespmem:s2], [sflag:$0x2] =	stream.linear.gather [hbm4b:s19+s2], $0x40, $0x38;
	[tilespmem:$0x10080] =	vst v63  }
0x76: {  	_ =	swait.ge [sflag:s8], $0x40  }
0x77: {  	[sflag:s8] =	ssyncset.done $0x0  }
0x78: {  	[sflag:s8] =	ssyncadd.s32 $0xFFFFFFC0  }
0x79: {  	v3 =	vld [tilespmem:$0x0];
	_ =	sdelay $0x4  }
0x7a: {  	v60 =	vshll.u32 v3, $0x3  }
0x7b: {  	v3 =	vand.u32 $0x7, v3;
	v4 =	vand.u32 $0xFFFFFFC0, v60  }
0x7c: {  	v3 =	vor.u32 v3, v4  }
0x7d: {  	v4 =	vperm.xlane v3, v0;
	_ =	sdelay $0x1  }
0x7e: {  	v4 =	vadd.s32 v1, v4;
	_ =	sdelay $0x4  }
0x7f: {  	[tilespmem:s0], [sflag:$0x1] =	stream.indirect_vreg.gather [hbm4b:s3+s2], $0x80, v4, vm0, $0xb8;
	[tilespmem:$0x10080] =	vst v63  }
0x80: {  	v3 =	vperm.xlane v3, v2  }
0x81: {  	[tilespmem:s20], [sflag:$0x1] =	stream.indirect_vreg.gather [hbm4b:s4+s2], $0x80, v4, vm0, $0xb8;
	[tilespmem:$0x10080] =	vst v63  }
0x82: {  	v3 =	vadd.s32 v1, v3  }
0x83: {  	[tilespmem:s21], [sflag:$0x1] =	stream.indirect_vreg.gather [hbm4b:s5+s2], $0x80, v4, vm0, $0xb8;
	[tilespmem:$0x10080] =	vst v63  }
0x84: {  	_ = 	snop  }
0x85: {  	[tilespmem:s22], [sflag:$0x1] =	stream.indirect_vreg.gather [hbm4b:s6+s2], $0x80, v4, vm0, $0xb8;
	[tilespmem:$0x10080] =	vst v63  }
0x86: {  	_ = 	snop  }
0x87: {  	[tilespmem:s23], [sflag:$0x1] =	stream.indirect_vreg.gather [hbm4b:s3+s2], $0x80, v3, vm0, $0xb8;
	[tilespmem:$0x10080] =	vst v63  }
0x88: {  	_ = 	snop  }
0x89: {  	[tilespmem:s24], [sflag:$0x1] =	stream.indirect_vreg.gather [hbm4b:s4+s2], $0x80, v3, vm0, $0xb8;
	[tilespmem:$0x10080] =	vst v63  }
0x8a: {  	_ = 	snop  }
0x8b: {  	[tilespmem:s25], [sflag:$0x1] =	stream.indirect_vreg.gather [hbm4b:s5+s2], $0x80, v3, vm0, $0xb8;
	[tilespmem:$0x10080] =	vst v63  }
0x8c: {  	_ = 	snop  }
0x8d: {  	[tilespmem:s26], [sflag:$0x1] =	stream.indirect_vreg.gather [hbm4b:s6+s2], $0x80, v3, vm0, $0xb8;
	[tilespmem:$0x10080] =	vst v63  }
0x8e: {  	v3 =	vld [tilespmem:$0x10];
	_ =	sdelay $0x4  }
0x8f: {  	v61 =	vshll.u32 v3, $0x3  }
0x90: {  	v3 =	vand.u32 $0x7, v3;
	v4 =	vand.u32 $0xFFFFFFC0, v61  }
0x91: {  	v3 =	vor.u32 v3, v4  }
0x92: {  	v4 =	vperm.xlane v3, v0;
	_ =	sdelay $0x1  }
0x93: {  	v4 =	vadd.s32 v1, v4;
	_ =	sdelay $0x4  }
0x94: {  	[tilespmem:s28], [sflag:$0x1] =	stream.indirect_vreg.gather [hbm4b:s3+s2], $0x80, v4, vm0, $0xb8;
	[tilespmem:$0x10080] =	vst v63  }
0x95: {  	v3 =	vperm.xlane v3, v2  }
0x96: {  	[tilespmem:s29], [sflag:$0x1] =	stream.indirect_vreg.gather [hbm4b:s4+s2], $0x80, v4, vm0, $0xb8;
	[tilespmem:$0x10080] =	vst v63  }
0x97: {  	v3 =	vadd.s32 v1, v3  }
0x98: {  	[tilespmem:s30], [sflag:$0x1] =	stream.indirect_vreg.gather [hbm4b:s5+s2], $0x80, v4, vm0, $0xb8;
	[tilespmem:$0x10080] =	vst v63  }
0x99: {  	_ = 	snop  }
0x9a: {  	[tilespmem:s31], [sflag:$0x1] =	stream.indirect_vreg.gather [hbm4b:s6+s2], $0x80, v4, vm0, $0xb8;
	[tilespmem:$0x10080] =	vst v63  }
0x9b: {  	s19 =	simm.s32 $0x6080  }
0x9c: {  	[tilespmem:s19], [sflag:$0x1] =	stream.indirect_vreg.gather [hbm4b:s3+s2], $0x80, v3, vm0, $0xb8;
	[tilespmem:$0x10080] =	vst v63  }
0x9d: {  	_ = 	snop  }
0x9e: {  	[tilespmem:s1], [sflag:$0x1] =	stream.indirect_vreg.gather [hbm4b:s4+s2], $0x80, v3, vm0, $0xb8;
	[tilespmem:$0x10080] =	vst v63  }
0x9f: {  	_ = 	snop  }
0xa0: {  	[tilespmem:s10], [sflag:$0x1] =	stream.indirect_vreg.gather [hbm4b:s5+s2], $0x80, v3, vm0, $0xb8;
	[tilespmem:$0x10080] =	vst v63  }
0xa1: {  	_ = 	snop  }
0xa2: {  	[tilespmem:s11], [sflag:$0x1] =	stream.indirect_vreg.gather [hbm4b:s6+s2], $0x80, v3, vm0, $0xb8;
	[tilespmem:$0x10080] =	vst v63  }
0xa3: {  	v3 =	vld [tilespmem:$0x20];
	_ =	sdelay $0x4  }
0xa4: {  	v62 =	vshll.u32 v3, $0x3  }
0xa5: {  	v3 =	vand.u32 $0x7, v3;
	v4 =	vand.u32 $0xFFFFFFC0, v62  }
0xa6: {  	v3 =	vor.u32 v3, v4  }
0xa7: {  	v4 =	vperm.xlane v3, v0;
	_ =	sdelay $0x1  }
0xa8: {  	v4 =	vadd.s32 v1, v4;
	_ =	sdelay $0x4  }
0xa9: {  	[tilespmem:s12], [sflag:$0x1] =	stream.indirect_vreg.gather [hbm4b:s3+s2], $0x80, v4, vm0, $0xb8;
	[tilespmem:$0x10080] =	vst v63  }
0xaa: {  	v3 =	vperm.xlane v3, v2  }
0xab: {  	[tilespmem:s13], [sflag:$0x1] =	stream.indirect_vreg.gather [hbm4b:s4+s2], $0x80, v4, vm0, $0xb8;
	[tilespmem:$0x10080] =	vst v63  }
0xac: {  	v3 =	vadd.s32 v1, v3  }
0xad: {  	[tilespmem:s14], [sflag:$0x1] =	stream.indirect_vreg.gather [hbm4b:s5+s2], $0x80, v4, vm0, $0xb8;
	[tilespmem:$0x10080] =	vst v63  }
0xae: {  	_ = 	snop  }
0xaf: {  	[tilespmem:s15], [sflag:$0x1] =	stream.indirect_vreg.gather [hbm4b:s6+s2], $0x80, v4, vm0, $0xb8;
	[tilespmem:$0x10080] =	vst v63  }
0xb0: {  	_ = 	snop  }
0xb1: {  	[tilespmem:s16], [sflag:$0x1] =	stream.indirect_vreg.gather [hbm4b:s3+s2], $0x80, v3, vm0, $0xb8;
	[tilespmem:$0x10080] =	vst v63  }
0xb2: {  	_ = 	snop  }
0xb3: {  	[tilespmem:s17], [sflag:$0x1] =	stream.indirect_vreg.gather [hbm4b:s4+s2], $0x80, v3, vm0, $0xb8;
	[tilespmem:$0x10080] =	vst v63  }
0xb4: {  	_ = 	snop  }
0xb5: {  	[tilespmem:s9], [sflag:$0x1] =	stream.indirect_vreg.gather [hbm4b:s5+s2], $0x80, v3, vm0, $0xb8;
	[tilespmem:$0x10080] =	vst v63  }
0xb6: {  	s19 =	simm.s32 $0xB880  }
0xb7: {  	[tilespmem:s19], [sflag:$0x1] =	stream.indirect_vreg.gather [hbm4b:s6+s2], $0x80, v3, vm0, $0xb8;
	[tilespmem:$0x10080] =	vst v63  }
0xb8: {  	v3 =	vld [tilespmem:$0x30];
	_ =	sdelay $0x4  }
0xb9: {  	v63 =	vshll.u32 v3, $0x3  }
0xba: {  	v3 =	vand.u32 $0x7, v3;
	v4 =	vand.u32 $0xFFFFFFC0, v63  }
0xbb: {  	v3 =	vor.u32 v3, v4  }
0xbc: {  	v4 =	vperm.xlane v3, v0;
	_ =	sdelay $0x1  }
0xbd: {  	v4 =	vadd.s32 v1, v4;
	_ =	sdelay $0x3  }
0xbe: {  	s19 =	simm.s32 $0xC080  }
0xbf: {  	[tilespmem:s19], [sflag:$0x1] =	stream.indirect_vreg.gather [hbm4b:s3+s2], $0x80, v4, vm0, $0xb8;
	[tilespmem:$0x10080] =	vst v63  }
0xc0: {  	v3 =	vperm.xlane v3, v2;
	s19 =	simm.s32 $0xC880  }
0xc1: {  	[tilespmem:s19], [sflag:$0x1] =	stream.indirect_vreg.gather [hbm4b:s4+s2], $0x80, v4, vm0, $0xb8;
	[tilespmem:$0x10080] =	vst v63  }
0xc2: {  	v3 =	vadd.s32 v1, v3;
	s19 =	simm.s32 $0xD080  }
0xc3: {  	[tilespmem:s19], [sflag:$0x1] =	stream.indirect_vreg.gather [hbm4b:s5+s2], $0x80, v4, vm0, $0xb8;
	[tilespmem:$0x10080] =	vst v63  }
0xc4: {  	s19 =	simm.s32 $0xD880  }
0xc5: {  	[tilespmem:s19], [sflag:$0x1] =	stream.indirect_vreg.gather [hbm4b:s6+s2], $0x80, v4, vm0, $0xb8;
	[tilespmem:$0x10080] =	vst v63  }
0xc6: {  	s19 =	simm.s32 $0xE080  }
0xc7: {  	[tilespmem:s19], [sflag:$0x1] =	stream.indirect_vreg.gather [hbm4b:s3+s2], $0x80, v3, vm0, $0xb8;
	[tilespmem:$0x10080] =	vst v63  }
0xc8: {  	s19 =	simm.s32 $0xE880  }
0xc9: {  	[tilespmem:s19], [sflag:$0x1] =	stream.indirect_vreg.gather [hbm4b:s4+s2], $0x80, v3, vm0, $0xb8;
	[tilespmem:$0x10080] =	vst v63  }
0xca: {  	s19 =	simm.s32 $0xF080  }
0xcb: {  	[tilespmem:s19], [sflag:$0x1] =	stream.indirect_vreg.gather [hbm4b:s5+s2], $0x80, v3, vm0, $0xb8;
	[tilespmem:$0x10080] =	vst v63  }
0xcc: {  	s19 =	simm.s32 $0xF880  }
0xcd: {  	[tilespmem:s19], [sflag:$0x1] =	stream.indirect_vreg.gather [hbm4b:s6+s2], $0x80, v3, vm0, $0xb8;
	[tilespmem:$0x10080] =	vst v63  }
0xce: {  	_ =	swait.ge [sflag:s18], $0x10000  }
0xcf: {  	p0 =	sne.s32 s7, $0x1;
	[sflag:s18] =	ssyncset.done $0x0  }
.Ltmp0:
0xd0: {  	s1 =	rddreg [dreg:$0x5];
	[sflag:s18] =	ssyncadd.s32 $0xFFFF0000;
	(pc) =	sbr.rel @p0 .LBB2_1-.Ltmp0, $4  }
0xd1: {  	[hbm4b:s1+s2] =	stream.linear.scatter [tilespmem:s0], [sflag:$0x2], $0x10000, $0x38;
	[tilespmem:$0x10080] =	vst v63  }
0xd2: {  	_ =	swait.ge [sflag:s8], $0x10000  }
0xd3: {  	[sflag:s8] =	ssyncset.done $0x0  }
0xd4: {  	s7 =	sadd.s32 $0xFFFFFFFF, s7;
	[sflag:s8] =	ssyncadd.s32 $0xFFFF0000  }
0xd5: {  	_ =	sfence.sel $0x180000  }
0xd6: {  	[bflag:$0x0] =	sbarrier.arrive $0xFFFF  }
0xd7: {  	_ =	strace $0x9000004A  }
0xd8: {  	s0 =	stileid.u32;
	[bflag:$0x2] =	sbarrier.arrive $0xFFFF  }
0xd9: {  	p0 =	sne.s32 s0, $0x0;
	s0 =	rddreg [dreg:$0x1]  }
0xda: {  	s0 =	sadd.s32 @!p0 $0x100000, s0  }
0xdb: {  	[sflag:s0] =	ssyncadd.tile.s32 @!p0 $0x1;
	_ =	shalt  }
.Lfunc_end2:
_tile_overlayer_lowered:
.L_overlay_start_2:
0xdc: {  	(tag) =	ssettag $0x2  }
0xdd: {  	s0 =	rddreg [dreg:$0x0];
	s2 =	stileid.u32  }
0xde: {  	s1 =	rddreg [dreg:$0x1];
	p0 =	sne.s32 s2, $0x0  }
0xdf: {  	s3 =	rddreg [dreg:$0x2];
	[bflag:$0x3] =	sbarrier.arrive $0xFFFF;
	s2 =	simm.s32 @!p0 $0x1C02  }
0xe0: {  	[timem:s3], [sflag:s2] =	dma.local @!p0 [hbm:s0], s1  }
0xe1: {  	s0 =	simm.s32 @!p0 $0x2  }
0xe2: {  	_ =	swait.ge @!p0 [sflag:s0], s1  }
0xe3: {  	s1 =	ssub.s32 @!p0 $0x0, s1;
	[sflag:s0] =	ssyncset.done @!p0 $0x0  }
0xe4: {  	[sflag:s0] =	ssyncadd.s32 @!p0 s1  }
0xe5: {  	[bflag:$0x3] =	sbarrier.arrive $0xFFFF  }
0xe6: {  	_ =	shalt  }

// kernel: kernel.8.cloned.1.call-start
scs
__scs_entry_jumppad:
0x0: {  	(pc) =	sbr.rel $0x88, $3  }
0x1: {  	(tag) =	ssettag $0x0;
	lr =	simm.s32 $0x1  }
0x2: {  	[smem:$0x3F9B] =	sst lr;
	_ =	strace $0xD0000000  }
0x3: {  	_ = 	snop  }
0x4: {  	_ = 	snop  }
0x5: {  	_ = 	snop  }
0x6: {  	_ = 	snop  }
0x7: {  	_ = 	snop  }
__scs_overlays_trampoline_lowered:
0x8: {  	[smem:$0x3FAA] =	sst s0  }
0x9: {  	[smem:$0x3FAB] =	sst s1  }
0xa: {  	[smem:$0x3FAC] =	sst s2  }
0xb: {  	[smem:$0x3FAD] =	sst s3  }
0xc: {  	[smem:$0x3FAE] =	sst s4  }
0xd: {  	[smem:$0x3FAF] =	sst s5  }
0xe: {  	[smem:$0x3FB0] =	sst s6  }
0xf: {  	[smem:$0x3FB1] =	sst s7  }
0x10: {  	[smem:$0x3FB2] =	sst s8  }
0x11: {  	[smem:$0x3FB3] =	sst s9;
	s0 =	simm.s32 @!p0 $0x0  }
0x12: {  	s1 =	sld [smem:$0x3F99];
	s0 =	simm.s32 @p0 $0x1  }
0x13: {  	[smem:$0x3FB4] =	sst s0;
	s0 =	simm.s32 @!p1 $0x0  }
0x14: {  	s2 =	sld [smem:$0x3F98];
	s0 =	simm.s32 @p1 $0x1  }
0x15: {  	[smem:$0x3FB5] =	sst s0;
	s0 =	simm.s32 @!p2 $0x0  }
0x16: {  	s3 =	sld [smem:$0x3FDB];
	s0 =	simm.s32 @p2 $0x1  }
0x17: {  	s4 =	simm.s32 $0x1BF5;
	[smem:$0x3FB7] =	sst s0  }
0x18: {  	s0 =	sld [smem:$0x3F9A];
	_ =	swait.ge [sflag:s4], $0x0  }
0x19: {  	s7 =	sld [smem:$0x3F9B]  }
0x1a: {  	s8 =	sadd.s32 $0xFFFFE003, lr  }
0x1b: {  	s9 =	sadd.s32 $0xFFFFFEF7, lr;
	s5 =	simm.s32 $0xFFFFFFFF;
	p2 =	slt.u32 s8, $0xFFFFF086  }
0x1c: {  	p1 =	slt.u32 s9, $0xF7A;
	s5 =	simm.s32 @!p2 $0x0  }
0x1d: {  	s5 =	simm.s32 @p1 $0x1;
	p0 =	seq.s32 s7, s2  }
0x1e: {  	s7 =	smul.u32 @!p0 $0xF7A, s2;
	p2 =	seq.s32 @!p0 s5, $0x0  }
0x1f: {  	s9 =	smul.u32 $0xF7A, s1;
	s8 =	simm.s32 @!p0 $0x1BF5;
	p2 =	por !p2, p0  }
0x20: {  	[sflag:s8] =	ssyncset.s32 @!p0 $0xFFFFF086;
	s6 =	sadd.s32 @!p0 s3, s7;
	s7 =	simm.s32 @!p0 $0x108  }
0x21: {  	s3 =	sadd.s32 s3, s9;
	s6 =	sadd.s32 @!p0 $0x88, s6;
	s7 =	simm.s32 @p2 $0x1082  }
0x22: {  	[simem:s7], [sflag:s8] =	dma.local @!p0 [hbm:s6], $0xF7A  }
0x23: {  	s9 =	sor.u32 $0xD0000000, s2;
	s6 =	simm.s32 $0x108;
	_ =	swait.ge @!p0 [sflag:s8], $0x0  }
0x24: {  	s3 =	sadd.s32 $0x88, s3;
	s6 =	simm.s32 @!p1 $0x1082;
	[sflag:s4] =	ssyncset.s32 $0xFFFFF086  }
0x25: {  	[simem:s6], [sflag:s4] =	dma.local [hbm:s3], $0xF7A  }
0x26: {  	[smem:$0x3F9B] =	sst s1;
	(tag) =	ssettag s2;
	_ =	strace s9  }
0x27: {  	s1 =	sld [smem:$0x3FAB]  }
0x28: {  	s2 =	sld [smem:$0x3FAC]  }
0x29: {  	s4 =	sld [smem:$0x3FAE]  }
0x2a: {  	p0 =	seq.s32 s5, $0x0;
	s5 =	sld [smem:$0x3FAF]  }
0x2b: {  	s6 =	sld [smem:$0x3FB0]  }
0x2c: {  	s7 =	sld [smem:$0x3FB1]  }
0x2d: {  	s3 =	simm.s32 $0x108;
	s8 =	sld [smem:$0x3FB2]  }
0x2e: {  	s3 =	simm.s32 @!p0 $0x1082;
	s9 =	sld [smem:$0x3FB3]  }
0x2f: {  	lr =	sadd.s32 s0, s3;
	s0 =	sld [smem:$0x3FAA]  }
0x30: {  	s3 =	sld [smem:$0x3FAD]  }
0x31: {  	[smem:$0x3FB6] =	sst s10  }
0x32: {  	s10 =	sld [smem:$0x3FB4];
	_ =	sdelay $0x3  }
0x33: {  	p0 =	seq.s32 s10, $0x1;
	s10 =	sld [smem:$0x3FB6];
	_ =	sdelay $0x3  }
0x34: {  	[smem:$0x3FB6] =	sst s10  }
0x35: {  	s10 =	sld [smem:$0x3FB5];
	_ =	sdelay $0x3  }
0x36: {  	p1 =	seq.s32 s10, $0x1;
	s10 =	sld [smem:$0x3FB6];
	_ =	sdelay $0x3  }
0x37: {  	[smem:$0x3FB6] =	sst s10  }
0x38: {  	s10 =	sld [smem:$0x3FB7]  }
0x39: {  	_ = 	snop;
	(pc) =	sbr.ind lr, $3  }
0x3a: {  	_ = 	snop  }
0x3b: {  	_ = 	snop  }
0x3c: {  	p2 =	seq.s32 s10, $0x1;
	s10 =	sld [smem:$0x3FB6]  }
0x3d: {  	_ =	shalt  }
0x3e: {  	_ =	shalt  }
0x3f: {  	_ =	shalt  }
0x40: {  	_ =	shalt  }
0x41: {  	_ =	shalt  }
0x42: {  	_ =	shalt  }
0x43: {  	_ =	shalt  }
0x44: {  	_ =	shalt  }
0x45: {  	_ =	shalt  }
0x46: {  	_ =	shalt  }
0x47: {  	_ =	shalt  }
0x48: {  	_ =	shalt  }
0x49: {  	_ =	shalt  }
0x4a: {  	_ =	shalt  }
0x4b: {  	_ =	shalt  }
0x4c: {  	_ =	shalt  }
0x4d: {  	_ =	shalt  }
0x4e: {  	_ =	shalt  }
0x4f: {  	_ =	shalt  }
0x50: {  	_ =	shalt  }
0x51: {  	_ =	shalt  }
0x52: {  	_ =	shalt  }
0x53: {  	_ =	shalt  }
0x54: {  	_ =	shalt  }
0x55: {  	_ =	shalt  }
0x56: {  	_ =	shalt  }
0x57: {  	_ =	shalt  }
0x58: {  	_ =	shalt  }
0x59: {  	_ =	shalt  }
0x5a: {  	_ =	shalt  }
0x5b: {  	_ =	shalt  }
0x5c: {  	_ =	shalt  }
0x5d: {  	_ =	shalt  }
0x5e: {  	_ =	shalt  }
0x5f: {  	_ =	shalt  }
0x60: {  	_ =	shalt  }
0x61: {  	_ =	shalt  }
0x62: {  	_ =	shalt  }
0x63: {  	_ =	shalt  }
0x64: {  	_ =	shalt  }
0x65: {  	_ =	shalt  }
0x66: {  	_ =	shalt  }
0x67: {  	_ =	shalt  }
0x68: {  	_ =	shalt  }
0x69: {  	_ =	shalt  }
0x6a: {  	_ =	shalt  }
0x6b: {  	_ =	shalt  }
0x6c: {  	_ =	shalt  }
0x6d: {  	_ =	shalt  }
0x6e: {  	_ =	shalt  }
0x6f: {  	_ =	shalt  }
0x70: {  	_ =	shalt  }
0x71: {  	_ =	shalt  }
0x72: {  	_ =	shalt  }
0x73: {  	_ =	shalt  }
0x74: {  	_ =	shalt  }
0x75: {  	_ =	shalt  }
0x76: {  	_ =	shalt  }
0x77: {  	_ =	shalt  }
0x78: {  	_ =	shalt  }
0x79: {  	_ =	shalt  }
0x7a: {  	_ =	shalt  }
0x7b: {  	_ =	shalt  }
0x7c: {  	_ =	shalt  }
0x7d: {  	_ =	shalt  }
0x7e: {  	_ =	shalt  }
0x7f: {  	_ =	shalt  }
0x80: {  	_ =	shalt  }
0x81: {  	_ =	shalt  }
0x82: {  	_ =	shalt  }
0x83: {  	_ =	shalt  }
0x84: {  	_ =	shalt  }
0x85: {  	_ =	shalt  }
0x86: {  	_ =	shalt  }
0x87: {  	_ =	shalt  }
.Lfunc_end0:
.L_simem_size_0:
called_computation_lowered:
.L_overlay_start_0:
0x88: {  	s2 =	sld [smem:$0x3FD9]  }
0x89: {  	s3 =	sld [smem:$0x3FFE];
	_ =	sdelay $0x1  }
0x8a: {  	s1 =	srdreg.scid  }
0x8b: {  	s0 =	sand.u32 $0x1, s1  }
0x8c: {  	s17 =	sshll.u32 s0, $0xA;
	s2 =	sadd.s32 s3, s2  }
0x8d: {  	s2 =	sadd.s32 s2, s17  }
0x8e: {  	[smem:$0x3FC2] =	sst s2  }
0x8f: {  	_ = 	snop  }
0x90: {  	s2 =	sld [smem:$0x3FC9];
	(tm) =	ssettm $0x1  }
0x91: {  	s18 =	sld [smem:$0x3FFB];
	_ =	sdelay $0x3  }
0x92: {  	_ =	strace s18  }
0x93: {  	s3 =	sld [smem:$0x3FFC];
	_ =	sdelay $0x3  }
0x94: {  	_ =	strace s3  }
0x95: {  	s3 =	sld [smem:$0x3FFD];
	_ =	sdelay $0x3  }
0x96: {  	_ =	strace s3  }
0x97: {  	_ =	strace $0x8FFFFFFF  }
0x98: {  	s19 =	sld [smem:$0x3FDB];
	_ =	sdelay $0x1  }
0x99: {  	s4 =	simm.s32 $_scs_section_size  }
0x9a: {  	s5 =	simm.s32 $_size__tile_overlayer_lowered;
	s6 =	simm.s32 $_tile_overlayer_lowered  }
0x9b: {  	s22 =	simm.s32 $0x1BFF;
	s21 =	sshll.u32 s6, $0x1;
	s3 =	sadd.s32 s4, s19  }
0x9c: {  	s7 =	simm.s32 $0x0;
	s20 =	sshll.u32 s5, $0x1;
	s5 =	sadd.s32 s21, s3  }
0x9d: {  	[timem:s7], [sflag:s22] =	dma.local [hbm:s5], s20  }
0x9e: {  	_ =	swait.ge [sflag:s22], s20  }
0x9f: {  	s4 =	ssub.s32 $0x0, s20;
	[sflag:s22] =	ssyncset.done $0x0  }
0xa0: {  	[sflag:s22] =	ssyncadd.s32 s4;
	_ =	sdelay $0x1  }
0xa1: {  	s23 =	simm.s32 $0x1B8B  }
0xa2: {  	_ =	swait.ge [sflag:s23], $0x1  }
0xa3: {  	[sflag:s23] =	ssyncset.done $0x0  }
0xa4: {  	s25 =	simm.s32 $0x1B8E;
	s24 =	sld [smem:$0x3FFE];
	[sflag:s23] =	ssyncadd.s32 $0xFFFFFFFF  }
0xa5: {  	s26 =	simm.s32 $execute0_lowered;
	[smem:$0x3FD2] =	sst s25  }
0xa6: {  	s5 =	sshll.u32 s26, $0x1;
	_ =	strace $0x80000046;
	[dreg:$0x1] =	wrdreg $0xFFFFFFFF  }
0xa7: {  	s28 =	simm.s32 $_size_execute0_lowered;
	s3 =	sadd.s32 s3, s5;
	[dreg:$0x0] =	wrdreg $0x0  }
0xa8: {  	s5 =	sshll.u32 s28, $0x1;
	[dreg:$0x2] =	wrdreg s3  }
0xa9: {  	[dreg:$0x3] =	wrdreg s5  }
0xaa: {  	[dreg:$0x4] =	wrdreg $0xC0  }
0xab: {  	_ =	task [dreg:s7], $0x5FFFF  }
0xac: {  	[dreg:$0x1] =	wrdreg $0xFFFFFFFF  }
0xad: {  	[dreg:$0x0] =	wrdreg $0x60  }
0xae: {  	[dreg:$0x2] =	wrdreg s2  }
0xaf: {  	[dreg:$0x3] =	wrdreg s24  }
0xb0: {  	[dreg:$0x4] =	wrdreg $0x9  }
0xb1: {  	_ =	task.clear_ibuf [dreg:s7], $0x5FFFF;
	_ =	strace $0x90000046  }
0xb2: {  	s29 =	simm.s32 $0x9;
	_ =	strace $0x80000048  }
0xb3: {  	_ =	swait.ge [sflag:s29], $0x1  }
0xb4: {  	[sflag:s29] =	ssyncadd.s32 $0xFFFFFFFF  }
0xb5: {  	_ =	strace $0x90000048  }
0xb6: {  	_ =	sfence  }
0xb7: {  	s30 =	sld [smem:$0x0];
	_ =	sdelay $0x2  }
0xb8: {  	s31 =	sshll.u32 s1, $0xD;
	s1 =	sshrl.u32 s1, $0x2  }
0xb9: {  	s3 =	sand.u32 $0x4000, s31;
	s1 =	sadd.s32 s1, s30  }
0xba: {  	s0 =	sor.u32 s3, s0;
	s1 =	sshll.u32 s1, $0x11  }
0xbb: {  	s0 =	sor.u32 s1, s0  }
0xbc: {  	s0 =	sadd.s32 $0x8F2B, s0  }
0xbd: {  	[sflag:s0] =	ssyncadd.remote.s32 $0x1  }
0xbe: {  	_ =	sfence.sel $0xFFFF  }
0xbf: {  	[dreg:$0x0] =	wrdreg $0xFFFFFFFF;
	(pc) =	sbr.abs _section_cstart, $3  }
0xc0: {  	[dreg:$0x1] =	wrdreg $0xFFFFFFFF  }
0xc1: {  	_ =	task.clear_ibuf [dreg:s7], $0x2FFFF;
	_ =	strace $0x9FFFFFFF  }
0xc2: {  	(tm) =	ssettm $0x7FFFFFFF  }
0xc3: {  	_ =	shalt  }
tec
execute0_lowered:
.L_overlay_start_1:
0x0: {  	(tag) =	ssettag $0x1  }
0x1: {  	s0 =	srdreg.scid;
	s1 =	rddreg [dreg:$0x0]  }
0x2: {  	s2 =	stileid.u32;
	s4 =	rddreg [dreg:$0x1];
	s9 =	simm.s32 $0x2  }
0x3: {  	s19 =	simm.s32 $0x1;
	s21 =	simm.s32 $0x880;
	s22 =	simm.s32 $0x1080  }
0x4: {  	s23 =	simm.s32 $0x1880;
	s28 =	simm.s32 $0x3880;
	s29 =	simm.s32 $0x4080  }
0x5: {  	s30 =	simm.s32 $0x4880;
	s31 =	simm.s32 $0x5080;
	s11 =	simm.s32 $0x7080  }
0x6: {  	s12 =	simm.s32 $0x7880;
	s13 =	simm.s32 $0x8080;
	s14 =	simm.s32 $0x8880  }
0x7: {  	s15 =	simm.s32 $0x9080;
	s16 =	simm.s32 $0x9880;
	s17 =	simm.s32 $0xA080  }
0x8: {  	s18 =	simm.s32 $0xA880;
	s10 =	simm.s32 $0xB080;
	s0 =	sand.u32 $0x1, s0  }
0x9: {  	s3 =	sshll.u32 s2, $0x8;
	s2 =	simm.s32 $0x0;
	s5 =	sshll.u32 s0, $0x7  }
0xa: {  	[smem:$0x7FF] =	sst s2;
	s0 =	ssub.s32 $0x2, s0;
	s5 =	sor.u32 s5, s3  }
0xb: {  	_ =	strace $0x80000047;
	s6 =	sshrl.u32 s0, $0x1;
	s3 =	sshrl.u32 s5, $0x3  }
0xc: {  	s5 =	sshll.u32 s5, $0x7;
	s0 =	ssub.s32 s0, s6;
	s7 =	sadd.s32 s3, s4  }
0xd: {  	s6 =	sadd.s32 $0x1800, s4;
	s3 =	sadd.s32 $0x1600, s4;
	s8 =	sadd.s32 $0x1400, s7  }
0xe: {  	s5 =	sand.u32 $0x3C000, s5;
	s25 =	sadd.s32 $0x1408, s7;
	[dreg:$0x3] =	wrdreg s8  }
0xf: {  	s24 =	sadd.s32 s1, s5;
	s5 =	sadd.s32 $0x1700, s4;
	[dreg:$0x4] =	wrdreg s25  }
0x10: {  	v2 =	vlaneseq.u32;
	s7 =	sadd.s32 $0x1900, s4;
	s1 =	simm.s32 $0x5880;
	[dreg:$0x6] =	wrdreg s24  }
0x11: {  	vm0 =	vmmov $0xffff;
	v1 =	vshrl.u32 v2, $0x3;
	s26 =	sadd.s32 $0x2000, s24;
	s8 =	smax.u32 s0, $0x1;
	s24 =	simm.s32 $0x2080  }
0x12: {  	v0 =	vand.u32 $0x7, v2;
	v2 =	vor.u32 $0x8, v2;
	v1 =	vmul.u32 $0x8, v1;
	s25 =	simm.s32 $0x2880;
	[dreg:$0x5] =	wrdreg s26;
	s26 =	simm.s32 $0x3080  }
.LBB2_1:
0x13: {  	s20 =	rddreg [dreg:$0x3]  }
0x14: {  	[tilespmem:s2], [sflag:$0x2] =	stream.linear.gather [hbm4b:s20+s2], $0x40, $0x38;
	[tilespmem:$0x10080] =	vst v63  }
0x15: {  	_ =	swait.ge [sflag:s9], $0x40  }
0x16: {  	[sflag:s9] =	ssyncset.done $0x0  }
0x17: {  	s0 =	simm.s32 $0x80;
	s4 =	rddreg [dreg:$0x6];
	[sflag:s9] =	ssyncadd.s32 $0xFFFFFFC0  }
0x18: {  	[tilespmem:s0], [sflag:$0x2] =	stream.linear.gather [hbm4b:s4+s2], $0x10000, $0x38;
	[tilespmem:$0x10080] =	vst v63  }
0x19: {  	_ =	swait.ge [sflag:s9], $0x10000  }
0x1a: {  	[sflag:s9] =	ssyncset.done $0x0  }
0x1b: {  	[sflag:s9] =	ssyncadd.s32 $0xFFFF0000  }
0x1c: {  	v3 =	vld [tilespmem:$0x0];
	_ =	sdelay $0x4  }
0x1d: {  	v4 =	vshll.u32 v3, $0x3  }
0x1e: {  	v3 =	vand.u32 $0x7, v3;
	v4 =	vand.u32 $0xFFFFFFC0, v4  }
0x1f: {  	v3 =	vor.u32 v3, v4  }
0x20: {  	v4 =	vperm.xlane v3, v0;
	_ =	sdelay $0x1  }
0x21: {  	v4 =	vadd.s32 v1, v4;
	_ =	sdelay $0x4  }
0x22: {  	[hbm4b:s3+s2] =	stream.indirect_vreg.scatter [tilespmem:s0], [sflag:$0x1], $0x80, v4, vm0, $0xb8;
	[tilespmem:$0x10080] =	vst v63  }
0x23: {  	v3 =	vperm.xlane v3, v2  }
0x24: {  	[hbm4b:s5+s2] =	stream.indirect_vreg.scatter [tilespmem:s21], [sflag:$0x1], $0x80, v4, vm0, $0xb8;
	[tilespmem:$0x10080] =	vst v63  }
0x25: {  	v3 =	vadd.s32 v1, v3  }
0x26: {  	[hbm4b:s6+s2] =	stream.indirect_vreg.scatter [tilespmem:s22], [sflag:$0x1], $0x80, v4, vm0, $0xb8;
	[tilespmem:$0x10080] =	vst v63  }
0x27: {  	_ = 	snop  }
0x28: {  	[hbm4b:s7+s2] =	stream.indirect_vreg.scatter [tilespmem:s23], [sflag:$0x1], $0x80, v4, vm0, $0xb8;
	[tilespmem:$0x10080] =	vst v63  }
0x29: {  	_ = 	snop  }
0x2a: {  	[hbm4b:s3+s2] =	stream.indirect_vreg.scatter [tilespmem:s24], [sflag:$0x1], $0x80, v3, vm0, $0xb8;
	[tilespmem:$0x10080] =	vst v63  }
0x2b: {  	_ = 	snop  }
0x2c: {  	[hbm4b:s5+s2] =	stream.indirect_vreg.scatter [tilespmem:s25], [sflag:$0x1], $0x80, v3, vm0, $0xb8;
	[tilespmem:$0x10080] =	vst v63  }
0x2d: {  	_ = 	snop  }
0x2e: {  	[hbm4b:s6+s2] =	stream.indirect_vreg.scatter [tilespmem:s26], [sflag:$0x1], $0x80, v3, vm0, $0xb8;
	[tilespmem:$0x10080] =	vst v63  }
0x2f: {  	_ = 	snop  }
0x30: {  	[hbm4b:s7+s2] =	stream.indirect_vreg.scatter [tilespmem:s28], [sflag:$0x1], $0x80, v3, vm0, $0xb8;
	[tilespmem:$0x10080] =	vst v63  }
0x31: {  	v3 =	vld [tilespmem:$0x10];
	_ =	sdelay $0x4  }
0x32: {  	v57 =	vshll.u32 v3, $0x3  }
0x33: {  	v3 =	vand.u32 $0x7, v3;
	v4 =	vand.u32 $0xFFFFFFC0, v57  }
0x34: {  	v3 =	vor.u32 v3, v4  }
0x35: {  	v4 =	vperm.xlane v3, v0;
	_ =	sdelay $0x1  }
0x36: {  	v4 =	vadd.s32 v1, v4;
	_ =	sdelay $0x4  }
0x37: {  	[hbm4b:s3+s2] =	stream.indirect_vreg.scatter [tilespmem:s29], [sflag:$0x1], $0x80, v4, vm0, $0xb8;
	[tilespmem:$0x10080] =	vst v63  }
0x38: {  	v3 =	vperm.xlane v3, v2  }
0x39: {  	[hbm4b:s5+s2] =	stream.indirect_vreg.scatter [tilespmem:s30], [sflag:$0x1], $0x80, v4, vm0, $0xb8;
	[tilespmem:$0x10080] =	vst v63  }
0x3a: {  	v3 =	vadd.s32 v1, v3  }
0x3b: {  	[hbm4b:s6+s2] =	stream.indirect_vreg.scatter [tilespmem:s31], [sflag:$0x1], $0x80, v4, vm0, $0xb8;
	[tilespmem:$0x10080] =	vst v63  }
0x3c: {  	_ = 	snop  }
0x3d: {  	[hbm4b:s7+s2] =	stream.indirect_vreg.scatter [tilespmem:s1], [sflag:$0x1], $0x80, v4, vm0, $0xb8;
	[tilespmem:$0x10080] =	vst v63  }
0x3e: {  	s4 =	simm.s32 $0x6080  }
0x3f: {  	[hbm4b:s3+s2] =	stream.indirect_vreg.scatter [tilespmem:s4], [sflag:$0x1], $0x80, v3, vm0, $0xb8;
	[tilespmem:$0x10080] =	vst v63  }
0x40: {  	s4 =	simm.s32 $0x6880  }
0x41: {  	[hbm4b:s5+s2] =	stream.indirect_vreg.scatter [tilespmem:s4], [sflag:$0x1], $0x80, v3, vm0, $0xb8;
	[tilespmem:$0x10080] =	vst v63  }
0x42: {  	_ = 	snop  }
0x43: {  	[hbm4b:s6+s2] =	stream.indirect_vreg.scatter [tilespmem:s11], [sflag:$0x1], $0x80, v3, vm0, $0xb8;
	[tilespmem:$0x10080] =	vst v63  }
0x44: {  	_ = 	snop  }
0x45: {  	[hbm4b:s7+s2] =	stream.indirect_vreg.scatter [tilespmem:s12], [sflag:$0x1], $0x80, v3, vm0, $0xb8;
	[tilespmem:$0x10080] =	vst v63  }
0x46: {  	v3 =	vld [tilespmem:$0x20];
	_ =	sdelay $0x4  }
0x47: {  	v58 =	vshll.u32 v3, $0x3  }
0x48: {  	v3 =	vand.u32 $0x7, v3;
	v4 =	vand.u32 $0xFFFFFFC0, v58  }
0x49: {  	v3 =	vor.u32 v3, v4  }
0x4a: {  	v4 =	vperm.xlane v3, v0;
	_ =	sdelay $0x1  }
0x4b: {  	v4 =	vadd.s32 v1, v4;
	_ =	sdelay $0x4  }
0x4c: {  	[hbm4b:s3+s2] =	stream.indirect_vreg.scatter [tilespmem:s13], [sflag:$0x1], $0x80, v4, vm0, $0xb8;
	[tilespmem:$0x10080] =	vst v63  }
0x4d: {  	v3 =	vperm.xlane v3, v2  }
0x4e: {  	[hbm4b:s5+s2] =	stream.indirect_vreg.scatter [tilespmem:s14], [sflag:$0x1], $0x80, v4, vm0, $0xb8;
	[tilespmem:$0x10080] =	vst v63  }
0x4f: {  	v3 =	vadd.s32 v1, v3  }
0x50: {  	[hbm4b:s6+s2] =	stream.indirect_vreg.scatter [tilespmem:s15], [sflag:$0x1], $0x80, v4, vm0, $0xb8;
	[tilespmem:$0x10080] =	vst v63  }
0x51: {  	_ = 	snop  }
0x52: {  	[hbm4b:s7+s2] =	stream.indirect_vreg.scatter [tilespmem:s16], [sflag:$0x1], $0x80, v4, vm0, $0xb8;
	[tilespmem:$0x10080] =	vst v63  }
0x53: {  	_ = 	snop  }
0x54: {  	[hbm4b:s3+s2] =	stream.indirect_vreg.scatter [tilespmem:s17], [sflag:$0x1], $0x80, v3, vm0, $0xb8;
	[tilespmem:$0x10080] =	vst v63  }
0x55: {  	_ = 	snop  }
0x56: {  	[hbm4b:s5+s2] =	stream.indirect_vreg.scatter [tilespmem:s18], [sflag:$0x1], $0x80, v3, vm0, $0xb8;
	[tilespmem:$0x10080] =	vst v63  }
0x57: {  	_ = 	snop  }
0x58: {  	[hbm4b:s6+s2] =	stream.indirect_vreg.scatter [tilespmem:s10], [sflag:$0x1], $0x80, v3, vm0, $0xb8;
	[tilespmem:$0x10080] =	vst v63  }
0x59: {  	s20 =	simm.s32 $0xB880  }
0x5a: {  	[hbm4b:s7+s2] =	stream.indirect_vreg.scatter [tilespmem:s20], [sflag:$0x1], $0x80, v3, vm0, $0xb8;
	[tilespmem:$0x10080] =	vst v63  }
0x5b: {  	v3 =	vld [tilespmem:$0x30];
	_ =	sdelay $0x4  }
0x5c: {  	v59 =	vshll.u32 v3, $0x3  }
0x5d: {  	v3 =	vand.u32 $0x7, v3;
	v4 =	vand.u32 $0xFFFFFFC0, v59  }
0x5e: {  	v3 =	vor.u32 v3, v4  }
0x5f: {  	v4 =	vperm.xlane v3, v0;
	_ =	sdelay $0x1  }
0x60: {  	v4 =	vadd.s32 v1, v4;
	_ =	sdelay $0x3  }
0x61: {  	s20 =	simm.s32 $0xC080  }
0x62: {  	[hbm4b:s3+s2] =	stream.indirect_vreg.scatter [tilespmem:s20], [sflag:$0x1], $0x80, v4, vm0, $0xb8;
	[tilespmem:$0x10080] =	vst v63  }
0x63: {  	v3 =	vperm.xlane v3, v2;
	s20 =	simm.s32 $0xC880  }
0x64: {  	[hbm4b:s5+s2] =	stream.indirect_vreg.scatter [tilespmem:s20], [sflag:$0x1], $0x80, v4, vm0, $0xb8;
	[tilespmem:$0x10080] =	vst v63  }
0x65: {  	v3 =	vadd.s32 v1, v3;
	s20 =	simm.s32 $0xD080  }
0x66: {  	[hbm4b:s6+s2] =	stream.indirect_vreg.scatter [tilespmem:s20], [sflag:$0x1], $0x80, v4, vm0, $0xb8;
	[tilespmem:$0x10080] =	vst v63  }
0x67: {  	s20 =	simm.s32 $0xD880  }
0x68: {  	[hbm4b:s7+s2] =	stream.indirect_vreg.scatter [tilespmem:s20], [sflag:$0x1], $0x80, v4, vm0, $0xb8;
	[tilespmem:$0x10080] =	vst v63  }
0x69: {  	s20 =	simm.s32 $0xE080  }
0x6a: {  	[hbm4b:s3+s2] =	stream.indirect_vreg.scatter [tilespmem:s20], [sflag:$0x1], $0x80, v3, vm0, $0xb8;
	[tilespmem:$0x10080] =	vst v63  }
0x6b: {  	s20 =	simm.s32 $0xE880  }
0x6c: {  	[hbm4b:s5+s2] =	stream.indirect_vreg.scatter [tilespmem:s20], [sflag:$0x1], $0x80, v3, vm0, $0xb8;
	[tilespmem:$0x10080] =	vst v63  }
0x6d: {  	s20 =	simm.s32 $0xF080  }
0x6e: {  	[hbm4b:s6+s2] =	stream.indirect_vreg.scatter [tilespmem:s20], [sflag:$0x1], $0x80, v3, vm0, $0xb8;
	[tilespmem:$0x10080] =	vst v63  }
0x6f: {  	s20 =	simm.s32 $0xF880  }
0x70: {  	[hbm4b:s7+s2] =	stream.indirect_vreg.scatter [tilespmem:s20], [sflag:$0x1], $0x80, v3, vm0, $0xb8;
	[tilespmem:$0x10080] =	vst v63  }
0x71: {  	_ =	swait.ge [sflag:s19], $0x10000  }
0x72: {  	[sflag:s19] =	ssyncset.done $0x0  }
0x73: {  	s20 =	rddreg [dreg:$0x4];
	[sflag:s19] =	ssyncadd.s32 $0xFFFF0000  }
0x74: {  	[tilespmem:s2], [sflag:$0x2] =	stream.linear.gather [hbm4b:s20+s2], $0x40, $0x38;
	[tilespmem:$0x10080] =	vst v63  }
0x75: {  	_ =	swait.ge [sflag:s9], $0x40  }
0x76: {  	[sflag:s9] =	ssyncset.done $0x0  }
0x77: {  	s20 =	rddreg [dreg:$0x5];
	[sflag:s9] =	ssyncadd.s32 $0xFFFFFFC0  }
0x78: {  	[tilespmem:s0], [sflag:$0x2] =	stream.linear.gather [hbm4b:s20+s2], $0x10000, $0x38;
	[tilespmem:$0x10080] =	vst v63  }
0x79: {  	_ =	swait.ge [sflag:s9], $0x10000  }
0x7a: {  	[sflag:s9] =	ssyncset.done $0x0  }
0x7b: {  	[sflag:s9] =	ssyncadd.s32 $0xFFFF0000  }
0x7c: {  	v3 =	vld [tilespmem:$0x0];
	_ =	sdelay $0x4  }
0x7d: {  	v60 =	vshll.u32 v3, $0x3  }
0x7e: {  	v3 =	vand.u32 $0x7, v3;
	v4 =	vand.u32 $0xFFFFFFC0, v60  }
0x7f: {  	v3 =	vor.u32 v3, v4  }
0x80: {  	v4 =	vperm.xlane v3, v0;
	_ =	sdelay $0x1  }
0x81: {  	v4 =	vadd.s32 v1, v4;
	_ =	sdelay $0x4  }
0x82: {  	[hbm4b:s3+s2] =	stream.indirect_vreg.scatter [tilespmem:s0], [sflag:$0x1], $0x80, v4, vm0, $0xb8;
	[tilespmem:$0x10080] =	vst v63  }
0x83: {  	v3 =	vperm.xlane v3, v2  }
0x84: {  	[hbm4b:s5+s2] =	stream.indirect_vreg.scatter [tilespmem:s21], [sflag:$0x1], $0x80, v4, vm0, $0xb8;
	[tilespmem:$0x10080] =	vst v63  }
0x85: {  	v3 =	vadd.s32 v1, v3  }
0x86: {  	[hbm4b:s6+s2] =	stream.indirect_vreg.scatter [tilespmem:s22], [sflag:$0x1], $0x80, v4, vm0, $0xb8;
	[tilespmem:$0x10080] =	vst v63  }
0x87: {  	_ = 	snop  }
0x88: {  	[hbm4b:s7+s2] =	stream.indirect_vreg.scatter [tilespmem:s23], [sflag:$0x1], $0x80, v4, vm0, $0xb8;
	[tilespmem:$0x10080] =	vst v63  }
0x89: {  	_ = 	snop  }
0x8a: {  	[hbm4b:s3+s2] =	stream.indirect_vreg.scatter [tilespmem:s24], [sflag:$0x1], $0x80, v3, vm0, $0xb8;
	[tilespmem:$0x10080] =	vst v63  }
0x8b: {  	_ = 	snop  }
0x8c: {  	[hbm4b:s5+s2] =	stream.indirect_vreg.scatter [tilespmem:s25], [sflag:$0x1], $0x80, v3, vm0, $0xb8;
	[tilespmem:$0x10080] =	vst v63  }
0x8d: {  	_ = 	snop  }
0x8e: {  	[hbm4b:s6+s2] =	stream.indirect_vreg.scatter [tilespmem:s26], [sflag:$0x1], $0x80, v3, vm0, $0xb8;
	[tilespmem:$0x10080] =	vst v63  }
0x8f: {  	_ = 	snop  }
0x90: {  	[hbm4b:s7+s2] =	stream.indirect_vreg.scatter [tilespmem:s28], [sflag:$0x1], $0x80, v3, vm0, $0xb8;
	[tilespmem:$0x10080] =	vst v63  }
0x91: {  	v3 =	vld [tilespmem:$0x10];
	_ =	sdelay $0x4  }
0x92: {  	v61 =	vshll.u32 v3, $0x3  }
0x93: {  	v3 =	vand.u32 $0x7, v3;
	v4 =	vand.u32 $0xFFFFFFC0, v61  }
0x94: {  	v3 =	vor.u32 v3, v4  }
0x95: {  	v4 =	vperm.xlane v3, v0;
	_ =	sdelay $0x1  }
0x96: {  	v4 =	vadd.s32 v1, v4;
	_ =	sdelay $0x4  }
0x97: {  	[hbm4b:s3+s2] =	stream.indirect_vreg.scatter [tilespmem:s29], [sflag:$0x1], $0x80, v4, vm0, $0xb8;
	[tilespmem:$0x10080] =	vst v63  }
0x98: {  	v3 =	vperm.xlane v3, v2  }
0x99: {  	[hbm4b:s5+s2] =	stream.indirect_vreg.scatter [tilespmem:s30], [sflag:$0x1], $0x80, v4, vm0, $0xb8;
	[tilespmem:$0x10080] =	vst v63  }
0x9a: {  	v3 =	vadd.s32 v1, v3  }
0x9b: {  	[hbm4b:s6+s2] =	stream.indirect_vreg.scatter [tilespmem:s31], [sflag:$0x1], $0x80, v4, vm0, $0xb8;
	[tilespmem:$0x10080] =	vst v63  }
0x9c: {  	_ = 	snop  }
0x9d: {  	[hbm4b:s7+s2] =	stream.indirect_vreg.scatter [tilespmem:s1], [sflag:$0x1], $0x80, v4, vm0, $0xb8;
	[tilespmem:$0x10080] =	vst v63  }
0x9e: {  	s20 =	simm.s32 $0x6080  }
0x9f: {  	[hbm4b:s3+s2] =	stream.indirect_vreg.scatter [tilespmem:s20], [sflag:$0x1], $0x80, v3, vm0, $0xb8;
	[tilespmem:$0x10080] =	vst v63  }
0xa0: {  	_ = 	snop  }
0xa1: {  	[hbm4b:s5+s2] =	stream.indirect_vreg.scatter [tilespmem:s4], [sflag:$0x1], $0x80, v3, vm0, $0xb8;
	[tilespmem:$0x10080] =	vst v63  }
0xa2: {  	_ = 	snop  }
0xa3: {  	[hbm4b:s6+s2] =	stream.indirect_vreg.scatter [tilespmem:s11], [sflag:$0x1], $0x80, v3, vm0, $0xb8;
	[tilespmem:$0x10080] =	vst v63  }
0xa4: {  	_ = 	snop  }
0xa5: {  	[hbm4b:s7+s2] =	stream.indirect_vreg.scatter [tilespmem:s12], [sflag:$0x1], $0x80, v3, vm0, $0xb8;
	[tilespmem:$0x10080] =	vst v63  }
0xa6: {  	v3 =	vld [tilespmem:$0x20];
	_ =	sdelay $0x4  }
0xa7: {  	v62 =	vshll.u32 v3, $0x3  }
0xa8: {  	v3 =	vand.u32 $0x7, v3;
	v4 =	vand.u32 $0xFFFFFFC0, v62  }
0xa9: {  	v3 =	vor.u32 v3, v4  }
0xaa: {  	v4 =	vperm.xlane v3, v0;
	_ =	sdelay $0x1  }
0xab: {  	v4 =	vadd.s32 v1, v4;
	_ =	sdelay $0x4  }
0xac: {  	[hbm4b:s3+s2] =	stream.indirect_vreg.scatter [tilespmem:s13], [sflag:$0x1], $0x80, v4, vm0, $0xb8;
	[tilespmem:$0x10080] =	vst v63  }
0xad: {  	v3 =	vperm.xlane v3, v2  }
0xae: {  	[hbm4b:s5+s2] =	stream.indirect_vreg.scatter [tilespmem:s14], [sflag:$0x1], $0x80, v4, vm0, $0xb8;
	[tilespmem:$0x10080] =	vst v63  }
0xaf: {  	v3 =	vadd.s32 v1, v3  }
0xb0: {  	[hbm4b:s6+s2] =	stream.indirect_vreg.scatter [tilespmem:s15], [sflag:$0x1], $0x80, v4, vm0, $0xb8;
	[tilespmem:$0x10080] =	vst v63  }
0xb1: {  	_ = 	snop  }
0xb2: {  	[hbm4b:s7+s2] =	stream.indirect_vreg.scatter [tilespmem:s16], [sflag:$0x1], $0x80, v4, vm0, $0xb8;
	[tilespmem:$0x10080] =	vst v63  }
0xb3: {  	_ = 	snop  }
0xb4: {  	[hbm4b:s3+s2] =	stream.indirect_vreg.scatter [tilespmem:s17], [sflag:$0x1], $0x80, v3, vm0, $0xb8;
	[tilespmem:$0x10080] =	vst v63  }
0xb5: {  	_ = 	snop  }
0xb6: {  	[hbm4b:s5+s2] =	stream.indirect_vreg.scatter [tilespmem:s18], [sflag:$0x1], $0x80, v3, vm0, $0xb8;
	[tilespmem:$0x10080] =	vst v63  }
0xb7: {  	_ = 	snop  }
0xb8: {  	[hbm4b:s6+s2] =	stream.indirect_vreg.scatter [tilespmem:s10], [sflag:$0x1], $0x80, v3, vm0, $0xb8;
	[tilespmem:$0x10080] =	vst v63  }
0xb9: {  	s20 =	simm.s32 $0xB880  }
0xba: {  	[hbm4b:s7+s2] =	stream.indirect_vreg.scatter [tilespmem:s20], [sflag:$0x1], $0x80, v3, vm0, $0xb8;
	[tilespmem:$0x10080] =	vst v63  }
0xbb: {  	v3 =	vld [tilespmem:$0x30];
	_ =	sdelay $0x4  }
0xbc: {  	v63 =	vshll.u32 v3, $0x3  }
0xbd: {  	v3 =	vand.u32 $0x7, v3;
	v4 =	vand.u32 $0xFFFFFFC0, v63  }
0xbe: {  	v3 =	vor.u32 v3, v4  }
0xbf: {  	v4 =	vperm.xlane v3, v0;
	_ =	sdelay $0x1  }
0xc0: {  	v4 =	vadd.s32 v1, v4;
	_ =	sdelay $0x3  }
0xc1: {  	s4 =	simm.s32 $0xC080  }
0xc2: {  	[hbm4b:s3+s2] =	stream.indirect_vreg.scatter [tilespmem:s4], [sflag:$0x1], $0x80, v4, vm0, $0xb8;
	[tilespmem:$0x10080] =	vst v63  }
0xc3: {  	s20 =	simm.s32 $0xC880;
	v3 =	vperm.xlane v3, v2  }
0xc4: {  	[hbm4b:s5+s2] =	stream.indirect_vreg.scatter [tilespmem:s20], [sflag:$0x1], $0x80, v4, vm0, $0xb8;
	[tilespmem:$0x10080] =	vst v63  }
0xc5: {  	v3 =	vadd.s32 v1, v3;
	s4 =	simm.s32 $0xD080  }
0xc6: {  	[hbm4b:s6+s2] =	stream.indirect_vreg.scatter [tilespmem:s4], [sflag:$0x1], $0x80, v4, vm0, $0xb8;
	[tilespmem:$0x10080] =	vst v63  }
0xc7: {  	s20 =	simm.s32 $0xD880  }
0xc8: {  	[hbm4b:s7+s2] =	stream.indirect_vreg.scatter [tilespmem:s20], [sflag:$0x1], $0x80, v4, vm0, $0xb8;
	[tilespmem:$0x10080] =	vst v63  }
0xc9: {  	s4 =	simm.s32 $0xE080  }
0xca: {  	[hbm4b:s3+s2] =	stream.indirect_vreg.scatter [tilespmem:s4], [sflag:$0x1], $0x80, v3, vm0, $0xb8;
	[tilespmem:$0x10080] =	vst v63  }
0xcb: {  	s20 =	simm.s32 $0xE880  }
0xcc: {  	[hbm4b:s5+s2] =	stream.indirect_vreg.scatter [tilespmem:s20], [sflag:$0x1], $0x80, v3, vm0, $0xb8;
	[tilespmem:$0x10080] =	vst v63  }
0xcd: {  	p0 =	sne.s32 s8, $0x1;
	s4 =	simm.s32 $0xF080  }
0xce: {  	[hbm4b:s6+s2] =	stream.indirect_vreg.scatter [tilespmem:s4], [sflag:$0x1], $0x80, v3, vm0, $0xb8;
	[tilespmem:$0x10080] =	vst v63  }
.Ltmp0:
0xcf: {  	s20 =	simm.s32 $0xF880;
	(pc) =	sbr.rel @p0 .LBB2_1-.Ltmp0, $4  }
0xd0: {  	[hbm4b:s7+s2] =	stream.indirect_vreg.scatter [tilespmem:s20], [sflag:$0x1], $0x80, v3, vm0, $0xb8;
	[tilespmem:$0x10080] =	vst v63  }
0xd1: {  	_ =	swait.ge [sflag:s19], $0x10000  }
0xd2: {  	[sflag:s19] =	ssyncset.done $0x0  }
0xd3: {  	s8 =	sadd.s32 $0xFFFFFFFF, s8;
	[sflag:s19] =	ssyncadd.s32 $0xFFFF0000  }
0xd4: {  	_ =	sfence.sel $0x180000  }
0xd5: {  	[bflag:$0x0] =	sbarrier.arrive $0xFFFF  }
0xd6: {  	_ =	strace $0x90000047  }
0xd7: {  	s0 =	stileid.u32;
	[bflag:$0x2] =	sbarrier.arrive $0xFFFF  }
0xd8: {  	p0 =	sne.s32 s0, $0x0;
	s0 =	rddreg [dreg:$0x2]  }
0xd9: {  	s0 =	sadd.s32 @!p0 $0x100000, s0  }
0xda: {  	[sflag:s0] =	ssyncadd.tile.s32 @!p0 $0x1;
	_ =	shalt  }
.Lfunc_end2:
_tile_overlayer_lowered:
.L_overlay_start_2:
0xdb: {  	(tag) =	ssettag $0x2  }
0xdc: {  	s0 =	rddreg [dreg:$0x0];
	s2 =	stileid.u32  }
0xdd: {  	s1 =	rddreg [dreg:$0x1];
	p0 =	sne.s32 s2, $0x0  }
0xde: {  	s3 =	rddreg [dreg:$0x2];
	[bflag:$0x3] =	sbarrier.arrive $0xFFFF;
	s2 =	simm.s32 @!p0 $0x1C02  }
0xdf: {  	[timem:s3], [sflag:s2] =	dma.local @!p0 [hbm:s0], s1  }
0xe0: {  	s0 =	simm.s32 @!p0 $0x2  }
0xe1: {  	_ =	swait.ge @!p0 [sflag:s0], s1  }
0xe2: {  	s1 =	ssub.s32 @!p0 $0x0, s1;
	[sflag:s0] =	ssyncset.done @!p0 $0x0  }
0xe3: {  	[sflag:s0] =	ssyncadd.s32 @!p0 s1  }
0xe4: {  	[bflag:$0x3] =	sbarrier.arrive $0xFFFF  }
0xe5: {  	_ =	shalt  }

</sc_bundles>
